<compile_context>
chip_gen: v7x
topology: tpu7x:2x2x1
jax: 0.10.2.dev20260603
libtpu: 0.0.44.dev20260713+nightly
codegen_flags: <defaults>
</compile_context>

<pallas_src>
import functools

import jax
import jax.numpy as jnp
from jax.experimental import pallas as pl
from jax.experimental.pallas import tpu as pltpu
from jax.experimental.pallas import tpu_sc as plsc

G, V = 8, 512
GV = G * V
D = 128
TT = 512
NC, NS = 2, 16
CH = 128


def _gumbel_z(l, temp):
    gum = -jnp.log(-jnp.log(l + 1e-05) + 1e-05)
    return (l + gum) / temp


def _logits_kernel(temp_ref, x_ref, w_ref, b_ref, logits_ref, idx_ref):
    x = x_ref[0]
    temp = temp_ref[0]
    logits = jax.lax.dot_general(
        w_ref[...], x, (((1,), (1,)), ((), ())),
        preferred_element_type=jnp.float32)
    logits = logits + b_ref[...]
    logits_ref[0] = logits
    idxs = []
    for g in range(G):
        lg = logits[g * V:(g + 1) * V, :]
        j1 = jnp.argmax(lg, axis=0)
        m1 = jnp.max(lg, axis=0)
        masked = jnp.where(lg == m1[None, :], -jnp.inf, lg)
        j2 = jnp.argmax(masked, axis=0)
        m2 = jnp.max(masked, axis=0)
        collapse = jnp.exp(_gumbel_z(m2, temp) - _gumbel_z(m1, temp)) >= 1.0
        idx = jnp.where(collapse, jnp.minimum(j1, j2), j1)
        idxs.append(idx + g * V)
    idx_ref[0] = jnp.stack(idxs, axis=0)


def _gather_kernel(table_hbm, idx_hbm, out_hbm, idx_v, ra, rb, shared,
                   gsem, sema, semb):
    w = jax.lax.axis_index("s") * NC + jax.lax.axis_index("c")
    b = w // G
    g = w % G
    sid = jax.lax.axis_index("s")
    stripe = GV // NS
    pltpu.sync_copy(table_hbm.at[pl.ds(sid * stripe, stripe)],
                    shared.at[pl.ds(sid * stripe, stripe)])
    plsc.subcore_barrier()
    nch = idx_hbm.shape[2]
    pltpu.sync_copy(idx_hbm.at[b, g], idx_v)
    grp = 2
    bufs = (ra, rb)
    ssems = (sema, semb)
    store_cps = [None, None]
    for m in range(nch // grp):
        buf = bufs[m % 2]
        if store_cps[m % 2] is not None:
            store_cps[m % 2].wait()
        cps = [
            pltpu.async_copy(
                shared.at[idx_v.at[m * grp + j]],
                buf.at[pl.ds(j * CH, CH)], gsem)
            for j in range(grp)
        ]
        for cp in cps:
            cp.wait()
        store_cps[m % 2] = pltpu.async_copy(
            buf, out_hbm.at[b, pl.ds(m * grp * CH, grp * CH), g],
            ssems[m % 2])
    for cp in store_cps:
        cp.wait()


def kernel(inputs, W, b, codebooks, temp):
    bsize, timesteps, channels = inputs.shape
    b2 = b.reshape(GV, 1)
    temp1 = jnp.asarray(temp, jnp.float32).reshape(1)
    table = jnp.transpose(codebooks.reshape(G, D, V), (0, 2, 1)).reshape(GV, D)
    logits_flat, idx = pl.pallas_call(
        _logits_kernel,
        grid=(bsize, timesteps // TT),
        in_specs=[
            pl.BlockSpec(memory_space=pltpu.SMEM),
            pl.BlockSpec((1, TT, channels), lambda i, j: (i, j, 0)),
            pl.BlockSpec((GV, channels), lambda i, j: (0, 0)),
            pl.BlockSpec((GV, 1), lambda i, j: (0, 0)),
        ],
        out_specs=[
            pl.BlockSpec((1, GV, TT), lambda i, j: (i, 0, j)),
            pl.BlockSpec((1, G, TT), lambda i, j: (i, 0, j)),
        ],
        out_shape=[
            jax.ShapeDtypeStruct((bsize, GV, timesteps), jnp.float32),
            jax.ShapeDtypeStruct((bsize, G, timesteps), jnp.int32),
        ],
        compiler_params=pltpu.CompilerParams(
            vmem_limit_bytes=64 * 1024 * 1024),
    )(temp1, inputs, W, b2)
    logits = logits_flat.reshape(bsize, G, V, timesteps)

    mesh = plsc.VectorSubcoreMesh(core_axis_name="c", subcore_axis_name="s")
    gather = functools.partial(
        pl.kernel,
        mesh=mesh,
        out_type=jax.ShapeDtypeStruct(
            (bsize, timesteps, G, D), jnp.float32),
        scratch_types=[
            pltpu.VMEM((timesteps // CH, CH), jnp.int32),
            pltpu.VMEM((2 * CH, D), jnp.float32),
            pltpu.VMEM((2 * CH, D), jnp.float32),
            pltpu.VMEM_SHARED((GV, D), jnp.float32),
            pltpu.SemaphoreType.DMA,
            pltpu.SemaphoreType.DMA,
            pltpu.SemaphoreType.DMA,
        ],
    )(_gather_kernel)
    out4 = gather(table, idx.reshape(bsize, G, timesteps // CH, CH))
    out = out4.reshape(bsize, timesteps, channels)
    return out, logits

# --- scband reference (transcript-rebuilt; emitter-appended) ---
"""Pipeline reference for scband-quantize-64561948393617 (READ-ONLY COPY).

The authoritative reference and input builder live on the scoring server;
editing this copy changes nothing except your own understanding.
"""

import jax, jax.numpy as jnp
import numpy as np

B, T, C = 4, 2048, 1024
G, V = 8, 512

def setup_inputs(seed: int = 0) -> dict:
    key = jax.random.key(seed)
    k1, k2, k3, k4 = jax.random.split(key, 4)
    # inputs uniform [0,1) and positive weights keep logits in (0,1) so the
    # deterministic 'gumbel' term -log(-log(logits+1e-5)+1e-5) stays finite,
    # matching the module's intended numeric range.
    inputs = jax.random.uniform(k1, (B, T, C), dtype=jnp.float32)
    W = jnp.abs(jax.random.normal(k2, (G * V, C), dtype=jnp.float32)) * 0.001
    b = jnp.abs(jax.random.normal(k3, (G * V,), dtype=jnp.float32)) * 0.01
    codebooks = jax.random.normal(k4, (1, G, C // G, V), dtype=jnp.float32)
    temp = jnp.float32(0.5)
    return {"inputs": inputs, "W": W, "b": b, "codebooks": codebooks, "temp": temp}

def reference(inputs, W, b, codebooks, temp):
    bsize, timesteps, _ = inputs.shape
    # proj: Linear(channels -> groups*vectors)
    logits = (inputs @ W.T + b).reshape(bsize, timesteps, G, V)
    logits = jnp.transpose(logits, (0, 2, 3, 1))  # [B, G, V, T]
    gumbels = -jnp.log(-jnp.log(logits + 1e-05) + 1e-05)
    prob = jax.nn.softmax((logits + gumbels) / temp, axis=2)  # softmax over V
    # soft assignment: codebooks [1, G, C//G, V] @ prob [B, G, V, T] -> [B, G, C//G, T]
    soft = jnp.matmul(codebooks, prob).reshape(bsize, -1, timesteps)  # [B, C, T]
    # hard one-hot at argmax over V (scatter of 1.0 at argmax index)
    idx = jnp.argmax(prob, axis=2)  # [B, G, T]
    hard_oh = jax.nn.one_hot(idx, V, axis=2, dtype=prob.dtype)  # [B, G, V, T]
    hard = jnp.matmul(codebooks, hard_oh).reshape(bsize, -1, timesteps)  # [B, C, T]
    out = jnp.transpose(hard - jax.lax.stop_gradient(soft) + soft, (0, 2, 1))  # [B, T, C]
    return out, logits

if __name__ == "__main__":
    import jax
    _d = setup_inputs()
    print(jax.jit(kernel)(*tuple(_d.values())))

</pallas_src>

<mosaic_0001>
#map = affine_map<(d0, d1) -> (0, 0)>
#map1 = affine_map<(d0, d1) -> (0, 0, 0, 0)>
module attributes {stable_mosaic.version = 14 : i64} {
  func.func @_gather_kernel(%arg0: i32, %arg1: i32, %arg2: memref<4096x128xf32, #tpu.memory_space<hbm>>, %arg3: memref<4x8x16x128xi32, #tpu.memory_space<hbm>>, %arg4: memref<4x2048x8x128xf32, #tpu.memory_space<hbm>>, %arg5: memref<16x128xi32, #tpu.memory_space<vmem>>, %arg6: memref<256x128xf32, #tpu.memory_space<vmem>>, %arg7: memref<256x128xf32, #tpu.memory_space<vmem>>, %arg8: memref<4096x128xf32, #tpu.memory_space<vmem_shared>>, %arg9: memref<!tpu.dma_semaphore, #tpu.memory_space<semaphore_mem>>, %arg10: memref<!tpu.dma_semaphore, #tpu.memory_space<semaphore_mem>>, %arg11: memref<!tpu.dma_semaphore, #tpu.memory_space<semaphore_mem>>) attributes {dimension_semantics = [#tpu.dimension_semantics<core_parallel>, #tpu.dimension_semantics<subcore_parallel>], iteration_bounds = array<i64: 2, 16>, scalar_prefetch = 0 : i64, scratch_operands = 7 : i64, tpu.core_type = #tpu.core_type<sc_vector_subcore>, window_params = [{transform_indices = #map}, {transform_indices = #map1}, {transform_indices = #map1}]} {
    %mul3A = arith.constant 2 : i32
    %mul3A_0 = arith.muli %arg1, %mul3A : i32
    %add3A = arith.addi %mul3A_0, %arg0 : i32
    %jit3A = arith.constant 8 : i32
    %div3A = arith.divsi %add3A, %jit3A : i32
    %sign3A = arith.constant 0 : i32
    %sign3A_1 = arith.cmpi sgt, %add3A, %sign3A : i32
    %sign3A_2 = arith.extui %sign3A_1 : i1 to i32
    %sign3A_3 = arith.constant 0 : i32
    %sign3A_4 = arith.cmpi slt, %add3A, %sign3A_3 : i32
    %sign3A_5 = arith.extui %sign3A_4 : i1 to i32
    %sign3A_6 = arith.subi %sign3A_2, %sign3A_5 : i32
    %sign3A_7 = arith.constant 0 : i32
    %sign3A_8 = arith.cmpi sgt, %jit3A, %sign3A_7 : i32
    %sign3A_9 = arith.extui %sign3A_8 : i1 to i32
    %sign3A_10 = arith.constant 0 : i32
    %sign3A_11 = arith.cmpi slt, %jit3A, %sign3A_10 : i32
    %sign3A_12 = arith.extui %sign3A_11 : i1 to i32
    %sign3A_13 = arith.subi %sign3A_9, %sign3A_12 : i32
    %ne3A = arith.cmpi ne, %sign3A_6, %sign3A_13 : i32
    %rem3A = arith.remsi %add3A, %jit3A : i32
    %ne3A_14 = arith.constant 0 : i32
    %ne3A_15 = arith.cmpi ne, %rem3A, %ne3A_14 : i32
    %and3A = arith.andi %ne3A, %ne3A_15 : i1
    %sub3A = arith.constant 1 : i32
    %sub3A_16 = arith.subi %div3A, %sub3A : i32
    %select_n3A = arith.select %and3A, %sub3A_16, %div3A : i32
    %jit3A_17 = arith.constant 8 : i32
    %eq3A = arith.constant 0 : i32
    %eq3A_18 = arith.cmpi eq, %jit3A_17, %eq3A : i32
    %jit3A_19 = arith.constant 1 : i32
    %select_n3A_20 = arith.select %eq3A_18, %jit3A_19, %jit3A_17 : i32
    %rem3A_21 = arith.remsi %add3A, %select_n3A_20 : i32
    %ne3A_22 = arith.constant 0 : i32
    %ne3A_23 = arith.cmpi ne, %rem3A_21, %ne3A_22 : i32
    %lt3A = arith.constant 0 : i32
    %lt3A_24 = arith.cmpi slt, %rem3A_21, %lt3A : i32
    %lt3A_25 = arith.constant 0 : i32
    %lt3A_26 = arith.cmpi slt, %select_n3A_20, %lt3A_25 : i32
    %ne3A_27 = arith.xori %lt3A_24, %lt3A_26 : i1
    %and3A_28 = arith.andi %ne3A_27, %ne3A_23 : i1
    %add3A_29 = arith.addi %rem3A_21, %select_n3A_20 : i32
    %select_n3A_30 = arith.select %and3A_28, %add3A_29, %rem3A_21 : i32
    %mul3A_31 = arith.constant 256 : i32
    %mul3A_32 = arith.muli %arg1, %mul3A_31 : i32
    %mul3A_33 = arith.constant 256 : i32
    %mul3A_34 = arith.muli %arg1, %mul3A_33 : i32
    "tpu.region"() ({
      %run_scoped3A = tpu.sem_alloc : memref<!tpu.dma_semaphore, #tpu.memory_space<semaphore_mem>>
      %dma_start3A_481 = arith.constant 0 : i32
      %dma_start3A_482 = tpu.memref_slice %arg8[%mul3A_34, %dma_start3A_481] : memref<4096x128xf32, #tpu.memory_space<vmem_shared>> -> memref<256x128xf32, #tpu.memory_space<vmem_shared>>
      %dma_start3A_483 = arith.constant 0 : i32
      %dma_start3A_484 = tpu.memref_slice %arg2[%mul3A_32, %dma_start3A_483] : memref<4096x128xf32, #tpu.memory_space<hbm>> -> memref<256x128xf32, #tpu.memory_space<hbm>>
      tpu.enqueue_dma source(%dma_start3A_484 : memref<256x128xf32, #tpu.memory_space<hbm>>) target(%dma_start3A_482 : memref<256x128xf32, #tpu.memory_space<vmem_shared>>) target_semaphore(%run_scoped3A : memref<!tpu.dma_semaphore, #tpu.memory_space<semaphore_mem>>)
      %dma_wait3A_485 = arith.constant 0 : i32
      %dma_wait3A_486 = tpu.memref_slice %arg8[%mul3A_34, %dma_wait3A_485] : memref<4096x128xf32, #tpu.memory_space<vmem_shared>> -> memref<256x128xf32, #tpu.memory_space<vmem_shared>>
      %dma_wait3A_487 = arith.constant 0 : i32
      %dma_wait3A_488 = tpu.memref_slice %arg2[%mul3A_32, %dma_wait3A_487] : memref<4096x128xf32, #tpu.memory_space<hbm>> -> memref<256x128xf32, #tpu.memory_space<hbm>>
      tpu.wait_dma2 semaphore(%run_scoped3A : memref<!tpu.dma_semaphore, #tpu.memory_space<semaphore_mem>>) src(%dma_wait3A_488 : memref<256x128xf32, #tpu.memory_space<hbm>>) dst(%dma_wait3A_486 : memref<256x128xf32, #tpu.memory_space<vmem_shared>>)
      tpu.yield
    }) : () -> ()
    %barrier3A = arith.constant 0 : index
    tpu.barrier barrier_id(%barrier3A)
    "tpu.region"() ({
      %run_scoped3A = tpu.sem_alloc : memref<!tpu.dma_semaphore, #tpu.memory_space<semaphore_mem>>
      %dma_start3A_481 = arith.constant 0 : i32
      %dma_start3A_482 = arith.constant 0 : i32
      %dma_start3A_483 = tpu.memref_slice %arg3[%select_n3A, %select_n3A_30, %dma_start3A_481, %dma_start3A_482] : memref<4x8x16x128xi32, #tpu.memory_space<hbm>> -> memref<1x1x16x128xi32, #tpu.memory_space<hbm>>
      %dma_start3A_484 = tpu.memref_squeeze %dma_start3A_483 : memref<1x1x16x128xi32, #tpu.memory_space<hbm>> -> memref<16x128xi32, #tpu.memory_space<hbm>>
      %dma_start3A_485 = arith.constant 0 : i32
      %dma_start3A_486 = arith.constant 0 : i32
      %dma_start3A_487 = tpu.memref_slice %arg3[%select_n3A, %select_n3A_30, %dma_start3A_485, %dma_start3A_486] : memref<4x8x16x128xi32, #tpu.memory_space<hbm>> -> memref<1x1x16x128xi32, #tpu.memory_space<hbm>>
      %dma_start3A_488 = tpu.memref_squeeze %dma_start3A_487 : memref<1x1x16x128xi32, #tpu.memory_space<hbm>> -> memref<16x128xi32, #tpu.memory_space<hbm>>
      tpu.enqueue_dma source(%dma_start3A_488 : memref<16x128xi32, #tpu.memory_space<hbm>>) target(%arg5 : memref<16x128xi32, #tpu.memory_space<vmem>>) target_semaphore(%run_scoped3A : memref<!tpu.dma_semaphore, #tpu.memory_space<semaphore_mem>>)
      %dma_wait3A_489 = arith.constant 0 : i32
      %dma_wait3A_490 = arith.constant 0 : i32
      %dma_wait3A_491 = tpu.memref_slice %arg3[%select_n3A, %select_n3A_30, %dma_wait3A_489, %dma_wait3A_490] : memref<4x8x16x128xi32, #tpu.memory_space<hbm>> -> memref<1x1x16x128xi32, #tpu.memory_space<hbm>>
      %dma_wait3A_492 = tpu.memref_squeeze %dma_wait3A_491 : memref<1x1x16x128xi32, #tpu.memory_space<hbm>> -> memref<16x128xi32, #tpu.memory_space<hbm>>
      %dma_wait3A_493 = arith.constant 0 : i32
      %dma_wait3A_494 = arith.constant 0 : i32
      %dma_wait3A_495 = tpu.memref_slice %arg3[%select_n3A, %select_n3A_30, %dma_wait3A_493, %dma_wait3A_494] : memref<4x8x16x128xi32, #tpu.memory_space<hbm>> -> memref<1x1x16x128xi32, #tpu.memory_space<hbm>>
      %dma_wait3A_496 = tpu.memref_squeeze %dma_wait3A_495 : memref<1x1x16x128xi32, #tpu.memory_space<hbm>> -> memref<16x128xi32, #tpu.memory_space<hbm>>
      tpu.wait_dma2 semaphore(%run_scoped3A : memref<!tpu.dma_semaphore, #tpu.memory_space<semaphore_mem>>) src(%dma_wait3A_496 : memref<16x128xi32, #tpu.memory_space<hbm>>) dst(%arg5 : memref<16x128xi32, #tpu.memory_space<vmem>>)
      tpu.yield
    }) : () -> ()
    %dma_start3A = arith.constant 0 : i32
    %dma_start3A_35 = arith.constant 0 : i32
    %dma_start3A_36 = arith.constant 0 : i32
    %dma_start3A_37 = tpu.memref_slice %arg6[%dma_start3A_35, %dma_start3A_36] : memref<256x128xf32, #tpu.memory_space<vmem>> -> memref<128x128xf32, #tpu.memory_space<vmem>>
    %dma_start3A_38 = arith.constant 0 : i32
    %dma_start3A_39 = tpu.memref_slice %arg5[%dma_start3A, %dma_start3A_38] : memref<16x128xi32, #tpu.memory_space<vmem>> -> memref<1x128xi32, #tpu.memory_space<vmem>>
    %dma_start3A_40 = tpu.memref_squeeze %dma_start3A_39 : memref<1x128xi32, #tpu.memory_space<vmem>> -> memref<128xi32, #tpu.memory_space<vmem>>
    %dma_start3A_41 = arith.constant 0 : i32
    %dma_start3A_42 = arith.constant 0 : i32
    %dma_start3A_43 = tpu.memref_slice %arg8[%dma_start3A_41, %dma_start3A_42] : memref<4096x128xf32, #tpu.memory_space<vmem_shared>> -> memref<4096x128xf32, #tpu.memory_space<vmem_shared>>
    tpu.enqueue_indirect_dma source(%dma_start3A_43 : memref<4096x128xf32, #tpu.memory_space<vmem_shared>>) target(%dma_start3A_37 : memref<128x128xf32, #tpu.memory_space<vmem>>) offsets(%dma_start3A_40 : memref<128xi32, #tpu.memory_space<vmem>>) semaphore(%arg9 : memref<!tpu.dma_semaphore, #tpu.memory_space<semaphore_mem>>)
    %dma_start3A_44 = arith.constant 1 : i32
    %dma_start3A_45 = arith.constant 128 : i32
    %dma_start3A_46 = arith.constant 0 : i32
    %dma_start3A_47 = tpu.memref_slice %arg6[%dma_start3A_45, %dma_start3A_46] : memref<256x128xf32, #tpu.memory_space<vmem>> -> memref<128x128xf32, #tpu.memory_space<vmem>>
    %dma_start3A_48 = arith.constant 0 : i32
    %dma_start3A_49 = tpu.memref_slice %arg5[%dma_start3A_44, %dma_start3A_48] : memref<16x128xi32, #tpu.memory_space<vmem>> -> memref<1x128xi32, #tpu.memory_space<vmem>>
    %dma_start3A_50 = tpu.memref_squeeze %dma_start3A_49 : memref<1x128xi32, #tpu.memory_space<vmem>> -> memref<128xi32, #tpu.memory_space<vmem>>
    %dma_start3A_51 = arith.constant 0 : i32
    %dma_start3A_52 = arith.constant 0 : i32
    %dma_start3A_53 = tpu.memref_slice %arg8[%dma_start3A_51, %dma_start3A_52] : memref<4096x128xf32, #tpu.memory_space<vmem_shared>> -> memref<4096x128xf32, #tpu.memory_space<vmem_shared>>
    tpu.enqueue_indirect_dma source(%dma_start3A_53 : memref<4096x128xf32, #tpu.memory_space<vmem_shared>>) target(%dma_start3A_47 : memref<128x128xf32, #tpu.memory_space<vmem>>) offsets(%dma_start3A_50 : memref<128xi32, #tpu.memory_space<vmem>>) semaphore(%arg9 : memref<!tpu.dma_semaphore, #tpu.memory_space<semaphore_mem>>)
    %dma_wait3A = arith.constant 0 : i32
    %dma_wait3A_54 = arith.constant 0 : i32
    %dma_wait3A_55 = arith.constant 0 : i32
    %dma_wait3A_56 = tpu.memref_slice %arg6[%dma_wait3A_54, %dma_wait3A_55] : memref<256x128xf32, #tpu.memory_space<vmem>> -> memref<128x128xf32, #tpu.memory_space<vmem>>
    %dma_wait3A_57 = arith.constant 0 : i32
    %dma_wait3A_58 = tpu.memref_slice %arg5[%dma_wait3A, %dma_wait3A_57] : memref<16x128xi32, #tpu.memory_space<vmem>> -> memref<1x128xi32, #tpu.memory_space<vmem>>
    %dma_wait3A_59 = tpu.memref_squeeze %dma_wait3A_58 : memref<1x128xi32, #tpu.memory_space<vmem>> -> memref<128xi32, #tpu.memory_space<vmem>>
    %dma_wait3A_60 = arith.constant 0 : i32
    %dma_wait3A_61 = arith.constant 0 : i32
    %dma_wait3A_62 = tpu.memref_slice %arg8[%dma_wait3A_60, %dma_wait3A_61] : memref<4096x128xf32, #tpu.memory_space<vmem_shared>> -> memref<4096x128xf32, #tpu.memory_space<vmem_shared>>
    tpu.wait_indirect_dma semaphore(%arg9 : memref<!tpu.dma_semaphore, #tpu.memory_space<semaphore_mem>>) src(%dma_wait3A_62 : memref<4096x128xf32, #tpu.memory_space<vmem_shared>>) dst(%dma_wait3A_56 : memref<128x128xf32, #tpu.memory_space<vmem>>)
    %dma_wait3A_63 = arith.constant 1 : i32
    %dma_wait3A_64 = arith.constant 128 : i32
    %dma_wait3A_65 = arith.constant 0 : i32
    %dma_wait3A_66 = tpu.memref_slice %arg6[%dma_wait3A_64, %dma_wait3A_65] : memref<256x128xf32, #tpu.memory_space<vmem>> -> memref<128x128xf32, #tpu.memory_space<vmem>>
    %dma_wait3A_67 = arith.constant 0 : i32
    %dma_wait3A_68 = tpu.memref_slice %arg5[%dma_wait3A_63, %dma_wait3A_67] : memref<16x128xi32, #tpu.memory_space<vmem>> -> memref<1x128xi32, #tpu.memory_space<vmem>>
    %dma_wait3A_69 = tpu.memref_squeeze %dma_wait3A_68 : memref<1x128xi32, #tpu.memory_space<vmem>> -> memref<128xi32, #tpu.memory_space<vmem>>
    %dma_wait3A_70 = arith.constant 0 : i32
    %dma_wait3A_71 = arith.constant 0 : i32
    %dma_wait3A_72 = tpu.memref_slice %arg8[%dma_wait3A_70, %dma_wait3A_71] : memref<4096x128xf32, #tpu.memory_space<vmem_shared>> -> memref<4096x128xf32, #tpu.memory_space<vmem_shared>>
    tpu.wait_indirect_dma semaphore(%arg9 : memref<!tpu.dma_semaphore, #tpu.memory_space<semaphore_mem>>) src(%dma_wait3A_72 : memref<4096x128xf32, #tpu.memory_space<vmem_shared>>) dst(%dma_wait3A_66 : memref<128x128xf32, #tpu.memory_space<vmem>>)
    %dma_start3A_73 = arith.constant 0 : i32
    %dma_start3A_74 = arith.constant 0 : i32
    %dma_start3A_75 = tpu.memref_slice %arg4[%select_n3A, %dma_start3A_73, %select_n3A_30, %dma_start3A_74] : memref<4x2048x8x128xf32, #tpu.memory_space<hbm>> -> memref<1x256x1x128xf32, #tpu.memory_space<hbm>>
    %dma_start3A_76 = tpu.memref_squeeze %dma_start3A_75 : memref<1x256x1x128xf32, #tpu.memory_space<hbm>> -> memref<256x128xf32, #tpu.memory_space<hbm>>
    %dma_start3A_77 = arith.constant 0 : i32
    %dma_start3A_78 = arith.constant 0 : i32
    %dma_start3A_79 = tpu.memref_slice %arg4[%select_n3A, %dma_start3A_77, %select_n3A_30, %dma_start3A_78] : memref<4x2048x8x128xf32, #tpu.memory_space<hbm>> -> memref<1x256x1x128xf32, #tpu.memory_space<hbm>>
    %dma_start3A_80 = tpu.memref_squeeze %dma_start3A_79 : memref<1x256x1x128xf32, #tpu.memory_space<hbm>> -> memref<256x128xf32, #tpu.memory_space<hbm>>
    tpu.enqueue_dma source(%arg6 : memref<256x128xf32, #tpu.memory_space<vmem>>) target(%dma_start3A_80 : memref<256x128xf32, #tpu.memory_space<hbm>>) target_semaphore(%arg10 : memref<!tpu.dma_semaphore, #tpu.memory_space<semaphore_mem>>)
    %dma_start3A_81 = arith.constant 2 : i32
    %dma_start3A_82 = arith.constant 0 : i32
    %dma_start3A_83 = arith.constant 0 : i32
    %dma_start3A_84 = tpu.memref_slice %arg7[%dma_start3A_82, %dma_start3A_83] : memref<256x128xf32, #tpu.memory_space<vmem>> -> memref<128x128xf32, #tpu.memory_space<vmem>>
    %dma_start3A_85 = arith.constant 0 : i32
    %dma_start3A_86 = tpu.memref_slice %arg5[%dma_start3A_81, %dma_start3A_85] : memref<16x128xi32, #tpu.memory_space<vmem>> -> memref<1x128xi32, #tpu.memory_space<vmem>>
    %dma_start3A_87 = tpu.memref_squeeze %dma_start3A_86 : memref<1x128xi32, #tpu.memory_space<vmem>> -> memref<128xi32, #tpu.memory_space<vmem>>
    %dma_start3A_88 = arith.constant 0 : i32
    %dma_start3A_89 = arith.constant 0 : i32
    %dma_start3A_90 = tpu.memref_slice %arg8[%dma_start3A_88, %dma_start3A_89] : memref<4096x128xf32, #tpu.memory_space<vmem_shared>> -> memref<4096x128xf32, #tpu.memory_space<vmem_shared>>
    tpu.enqueue_indirect_dma source(%dma_start3A_90 : memref<4096x128xf32, #tpu.memory_space<vmem_shared>>) target(%dma_start3A_84 : memref<128x128xf32, #tpu.memory_space<vmem>>) offsets(%dma_start3A_87 : memref<128xi32, #tpu.memory_space<vmem>>) semaphore(%arg9 : memref<!tpu.dma_semaphore, #tpu.memory_space<semaphore_mem>>)
    %dma_start3A_91 = arith.constant 3 : i32
    %dma_start3A_92 = arith.constant 128 : i32
    %dma_start3A_93 = arith.constant 0 : i32
    %dma_start3A_94 = tpu.memref_slice %arg7[%dma_start3A_92, %dma_start3A_93] : memref<256x128xf32, #tpu.memory_space<vmem>> -> memref<128x128xf32, #tpu.memory_space<vmem>>
    %dma_start3A_95 = arith.constant 0 : i32
    %dma_start3A_96 = tpu.memref_slice %arg5[%dma_start3A_91, %dma_start3A_95] : memref<16x128xi32, #tpu.memory_space<vmem>> -> memref<1x128xi32, #tpu.memory_space<vmem>>
    %dma_start3A_97 = tpu.memref_squeeze %dma_start3A_96 : memref<1x128xi32, #tpu.memory_space<vmem>> -> memref<128xi32, #tpu.memory_space<vmem>>
    %dma_start3A_98 = arith.constant 0 : i32
    %dma_start3A_99 = arith.constant 0 : i32
    %dma_start3A_100 = tpu.memref_slice %arg8[%dma_start3A_98, %dma_start3A_99] : memref<4096x128xf32, #tpu.memory_space<vmem_shared>> -> memref<4096x128xf32, #tpu.memory_space<vmem_shared>>
    tpu.enqueue_indirect_dma source(%dma_start3A_100 : memref<4096x128xf32, #tpu.memory_space<vmem_shared>>) target(%dma_start3A_94 : memref<128x128xf32, #tpu.memory_space<vmem>>) offsets(%dma_start3A_97 : memref<128xi32, #tpu.memory_space<vmem>>) semaphore(%arg9 : memref<!tpu.dma_semaphore, #tpu.memory_space<semaphore_mem>>)
    %dma_wait3A_101 = arith.constant 2 : i32
    %dma_wait3A_102 = arith.constant 0 : i32
    %dma_wait3A_103 = arith.constant 0 : i32
    %dma_wait3A_104 = tpu.memref_slice %arg7[%dma_wait3A_102, %dma_wait3A_103] : memref<256x128xf32, #tpu.memory_space<vmem>> -> memref<128x128xf32, #tpu.memory_space<vmem>>
    %dma_wait3A_105 = arith.constant 0 : i32
    %dma_wait3A_106 = tpu.memref_slice %arg5[%dma_wait3A_101, %dma_wait3A_105] : memref<16x128xi32, #tpu.memory_space<vmem>> -> memref<1x128xi32, #tpu.memory_space<vmem>>
    %dma_wait3A_107 = tpu.memref_squeeze %dma_wait3A_106 : memref<1x128xi32, #tpu.memory_space<vmem>> -> memref<128xi32, #tpu.memory_space<vmem>>
    %dma_wait3A_108 = arith.constant 0 : i32
    %dma_wait3A_109 = arith.constant 0 : i32
    %dma_wait3A_110 = tpu.memref_slice %arg8[%dma_wait3A_108, %dma_wait3A_109] : memref<4096x128xf32, #tpu.memory_space<vmem_shared>> -> memref<4096x128xf32, #tpu.memory_space<vmem_shared>>
    tpu.wait_indirect_dma semaphore(%arg9 : memref<!tpu.dma_semaphore, #tpu.memory_space<semaphore_mem>>) src(%dma_wait3A_110 : memref<4096x128xf32, #tpu.memory_space<vmem_shared>>) dst(%dma_wait3A_104 : memref<128x128xf32, #tpu.memory_space<vmem>>)
    %dma_wait3A_111 = arith.constant 3 : i32
    %dma_wait3A_112 = arith.constant 128 : i32
    %dma_wait3A_113 = arith.constant 0 : i32
    %dma_wait3A_114 = tpu.memref_slice %arg7[%dma_wait3A_112, %dma_wait3A_113] : memref<256x128xf32, #tpu.memory_space<vmem>> -> memref<128x128xf32, #tpu.memory_space<vmem>>
    %dma_wait3A_115 = arith.constant 0 : i32
    %dma_wait3A_116 = tpu.memref_slice %arg5[%dma_wait3A_111, %dma_wait3A_115] : memref<16x128xi32, #tpu.memory_space<vmem>> -> memref<1x128xi32, #tpu.memory_space<vmem>>
    %dma_wait3A_117 = tpu.memref_squeeze %dma_wait3A_116 : memref<1x128xi32, #tpu.memory_space<vmem>> -> memref<128xi32, #tpu.memory_space<vmem>>
    %dma_wait3A_118 = arith.constant 0 : i32
    %dma_wait3A_119 = arith.constant 0 : i32
    %dma_wait3A_120 = tpu.memref_slice %arg8[%dma_wait3A_118, %dma_wait3A_119] : memref<4096x128xf32, #tpu.memory_space<vmem_shared>> -> memref<4096x128xf32, #tpu.memory_space<vmem_shared>>
    tpu.wait_indirect_dma semaphore(%arg9 : memref<!tpu.dma_semaphore, #tpu.memory_space<semaphore_mem>>) src(%dma_wait3A_120 : memref<4096x128xf32, #tpu.memory_space<vmem_shared>>) dst(%dma_wait3A_114 : memref<128x128xf32, #tpu.memory_space<vmem>>)
    %dma_start3A_121 = arith.constant 256 : i32
    %dma_start3A_122 = arith.constant 0 : i32
    %dma_start3A_123 = tpu.memref_slice %arg4[%select_n3A, %dma_start3A_121, %select_n3A_30, %dma_start3A_122] : memref<4x2048x8x128xf32, #tpu.memory_space<hbm>> -> memref<1x256x1x128xf32, #tpu.memory_space<hbm>>
    %dma_start3A_124 = tpu.memref_squeeze %dma_start3A_123 : memref<1x256x1x128xf32, #tpu.memory_space<hbm>> -> memref<256x128xf32, #tpu.memory_space<hbm>>
    %dma_start3A_125 = arith.constant 256 : i32
    %dma_start3A_126 = arith.constant 0 : i32
    %dma_start3A_127 = tpu.memref_slice %arg4[%select_n3A, %dma_start3A_125, %select_n3A_30, %dma_start3A_126] : memref<4x2048x8x128xf32, #tpu.memory_space<hbm>> -> memref<1x256x1x128xf32, #tpu.memory_space<hbm>>
    %dma_start3A_128 = tpu.memref_squeeze %dma_start3A_127 : memref<1x256x1x128xf32, #tpu.memory_space<hbm>> -> memref<256x128xf32, #tpu.memory_space<hbm>>
    tpu.enqueue_dma source(%arg7 : memref<256x128xf32, #tpu.memory_space<vmem>>) target(%dma_start3A_128 : memref<256x128xf32, #tpu.memory_space<hbm>>) target_semaphore(%arg11 : memref<!tpu.dma_semaphore, #tpu.memory_space<semaphore_mem>>)
    %dma_wait3A_129 = arith.constant 0 : i32
    %dma_wait3A_130 = arith.constant 0 : i32
    %dma_wait3A_131 = tpu.memref_slice %arg4[%select_n3A, %dma_wait3A_129, %select_n3A_30, %dma_wait3A_130] : memref<4x2048x8x128xf32, #tpu.memory_space<hbm>> -> memref<1x256x1x128xf32, #tpu.memory_space<hbm>>
    %dma_wait3A_132 = tpu.memref_squeeze %dma_wait3A_131 : memref<1x256x1x128xf32, #tpu.memory_space<hbm>> -> memref<256x128xf32, #tpu.memory_space<hbm>>
    %dma_wait3A_133 = arith.constant 0 : i32
    %dma_wait3A_134 = arith.constant 0 : i32
    %dma_wait3A_135 = tpu.memref_slice %arg4[%select_n3A, %dma_wait3A_133, %select_n3A_30, %dma_wait3A_134] : memref<4x2048x8x128xf32, #tpu.memory_space<hbm>> -> memref<1x256x1x128xf32, #tpu.memory_space<hbm>>
    %dma_wait3A_136 = tpu.memref_squeeze %dma_wait3A_135 : memref<1x256x1x128xf32, #tpu.memory_space<hbm>> -> memref<256x128xf32, #tpu.memory_space<hbm>>
    tpu.wait_dma2 semaphore(%arg10 : memref<!tpu.dma_semaphore, #tpu.memory_space<semaphore_mem>>) src(%arg6 : memref<256x128xf32, #tpu.memory_space<vmem>>) dst(%dma_wait3A_136 : memref<256x128xf32, #tpu.memory_space<hbm>>)
    %dma_start3A_137 = arith.constant 4 : i32
    %dma_start3A_138 = arith.constant 0 : i32
    %dma_start3A_139 = arith.constant 0 : i32
    %dma_start3A_140 = tpu.memref_slice %arg6[%dma_start3A_138, %dma_start3A_139] : memref<256x128xf32, #tpu.memory_space<vmem>> -> memref<128x128xf32, #tpu.memory_space<vmem>>
    %dma_start3A_141 = arith.constant 0 : i32
    %dma_start3A_142 = tpu.memref_slice %arg5[%dma_start3A_137, %dma_start3A_141] : memref<16x128xi32, #tpu.memory_space<vmem>> -> memref<1x128xi32, #tpu.memory_space<vmem>>
    %dma_start3A_143 = tpu.memref_squeeze %dma_start3A_142 : memref<1x128xi32, #tpu.memory_space<vmem>> -> memref<128xi32, #tpu.memory_space<vmem>>
    %dma_start3A_144 = arith.constant 0 : i32
    %dma_start3A_145 = arith.constant 0 : i32
    %dma_start3A_146 = tpu.memref_slice %arg8[%dma_start3A_144, %dma_start3A_145] : memref<4096x128xf32, #tpu.memory_space<vmem_shared>> -> memref<4096x128xf32, #tpu.memory_space<vmem_shared>>
    tpu.enqueue_indirect_dma source(%dma_start3A_146 : memref<4096x128xf32, #tpu.memory_space<vmem_shared>>) target(%dma_start3A_140 : memref<128x128xf32, #tpu.memory_space<vmem>>) offsets(%dma_start3A_143 : memref<128xi32, #tpu.memory_space<vmem>>) semaphore(%arg9 : memref<!tpu.dma_semaphore, #tpu.memory_space<semaphore_mem>>)
    %dma_start3A_147 = arith.constant 5 : i32
    %dma_start3A_148 = arith.constant 128 : i32
    %dma_start3A_149 = arith.constant 0 : i32
    %dma_start3A_150 = tpu.memref_slice %arg6[%dma_start3A_148, %dma_start3A_149] : memref<256x128xf32, #tpu.memory_space<vmem>> -> memref<128x128xf32, #tpu.memory_space<vmem>>
    %dma_start3A_151 = arith.constant 0 : i32
    %dma_start3A_152 = tpu.memref_slice %arg5[%dma_start3A_147, %dma_start3A_151] : memref<16x128xi32, #tpu.memory_space<vmem>> -> memref<1x128xi32, #tpu.memory_space<vmem>>
    %dma_start3A_153 = tpu.memref_squeeze %dma_start3A_152 : memref<1x128xi32, #tpu.memory_space<vmem>> -> memref<128xi32, #tpu.memory_space<vmem>>
    %dma_start3A_154 = arith.constant 0 : i32
    %dma_start3A_155 = arith.constant 0 : i32
    %dma_start3A_156 = tpu.memref_slice %arg8[%dma_start3A_154, %dma_start3A_155] : memref<4096x128xf32, #tpu.memory_space<vmem_shared>> -> memref<4096x128xf32, #tpu.memory_space<vmem_shared>>
    tpu.enqueue_indirect_dma source(%dma_start3A_156 : memref<4096x128xf32, #tpu.memory_space<vmem_shared>>) target(%dma_start3A_150 : memref<128x128xf32, #tpu.memory_space<vmem>>) offsets(%dma_start3A_153 : memref<128xi32, #tpu.memory_space<vmem>>) semaphore(%arg9 : memref<!tpu.dma_semaphore, #tpu.memory_space<semaphore_mem>>)
    %dma_wait3A_157 = arith.constant 4 : i32
    %dma_wait3A_158 = arith.constant 0 : i32
    %dma_wait3A_159 = arith.constant 0 : i32
    %dma_wait3A_160 = tpu.memref_slice %arg6[%dma_wait3A_158, %dma_wait3A_159] : memref<256x128xf32, #tpu.memory_space<vmem>> -> memref<128x128xf32, #tpu.memory_space<vmem>>
    %dma_wait3A_161 = arith.constant 0 : i32
    %dma_wait3A_162 = tpu.memref_slice %arg5[%dma_wait3A_157, %dma_wait3A_161] : memref<16x128xi32, #tpu.memory_space<vmem>> -> memref<1x128xi32, #tpu.memory_space<vmem>>
    %dma_wait3A_163 = tpu.memref_squeeze %dma_wait3A_162 : memref<1x128xi32, #tpu.memory_space<vmem>> -> memref<128xi32, #tpu.memory_space<vmem>>
    %dma_wait3A_164 = arith.constant 0 : i32
    %dma_wait3A_165 = arith.constant 0 : i32
    %dma_wait3A_166 = tpu.memref_slice %arg8[%dma_wait3A_164, %dma_wait3A_165] : memref<4096x128xf32, #tpu.memory_space<vmem_shared>> -> memref<4096x128xf32, #tpu.memory_space<vmem_shared>>
    tpu.wait_indirect_dma semaphore(%arg9 : memref<!tpu.dma_semaphore, #tpu.memory_space<semaphore_mem>>) src(%dma_wait3A_166 : memref<4096x128xf32, #tpu.memory_space<vmem_shared>>) dst(%dma_wait3A_160 : memref<128x128xf32, #tpu.memory_space<vmem>>)
    %dma_wait3A_167 = arith.constant 5 : i32
    %dma_wait3A_168 = arith.constant 128 : i32
    %dma_wait3A_169 = arith.constant 0 : i32
    %dma_wait3A_170 = tpu.memref_slice %arg6[%dma_wait3A_168, %dma_wait3A_169] : memref<256x128xf32, #tpu.memory_space<vmem>> -> memref<128x128xf32, #tpu.memory_space<vmem>>
    %dma_wait3A_171 = arith.constant 0 : i32
    %dma_wait3A_172 = tpu.memref_slice %arg5[%dma_wait3A_167, %dma_wait3A_171] : memref<16x128xi32, #tpu.memory_space<vmem>> -> memref<1x128xi32, #tpu.memory_space<vmem>>
    %dma_wait3A_173 = tpu.memref_squeeze %dma_wait3A_172 : memref<1x128xi32, #tpu.memory_space<vmem>> -> memref<128xi32, #tpu.memory_space<vmem>>
    %dma_wait3A_174 = arith.constant 0 : i32
    %dma_wait3A_175 = arith.constant 0 : i32
    %dma_wait3A_176 = tpu.memref_slice %arg8[%dma_wait3A_174, %dma_wait3A_175] : memref<4096x128xf32, #tpu.memory_space<vmem_shared>> -> memref<4096x128xf32, #tpu.memory_space<vmem_shared>>
    tpu.wait_indirect_dma semaphore(%arg9 : memref<!tpu.dma_semaphore, #tpu.memory_space<semaphore_mem>>) src(%dma_wait3A_176 : memref<4096x128xf32, #tpu.memory_space<vmem_shared>>) dst(%dma_wait3A_170 : memref<128x128xf32, #tpu.memory_space<vmem>>)
    %dma_start3A_177 = arith.constant 512 : i32
    %dma_start3A_178 = arith.constant 0 : i32
    %dma_start3A_179 = tpu.memref_slice %arg4[%select_n3A, %dma_start3A_177, %select_n3A_30, %dma_start3A_178] : memref<4x2048x8x128xf32, #tpu.memory_space<hbm>> -> memref<1x256x1x128xf32, #tpu.memory_space<hbm>>
    %dma_start3A_180 = tpu.memref_squeeze %dma_start3A_179 : memref<1x256x1x128xf32, #tpu.memory_space<hbm>> -> memref<256x128xf32, #tpu.memory_space<hbm>>
    %dma_start3A_181 = arith.constant 512 : i32
    %dma_start3A_182 = arith.constant 0 : i32
    %dma_start3A_183 = tpu.memref_slice %arg4[%select_n3A, %dma_start3A_181, %select_n3A_30, %dma_start3A_182] : memref<4x2048x8x128xf32, #tpu.memory_space<hbm>> -> memref<1x256x1x128xf32, #tpu.memory_space<hbm>>
    %dma_start3A_184 = tpu.memref_squeeze %dma_start3A_183 : memref<1x256x1x128xf32, #tpu.memory_space<hbm>> -> memref<256x128xf32, #tpu.memory_space<hbm>>
    tpu.enqueue_dma source(%arg6 : memref<256x128xf32, #tpu.memory_space<vmem>>) target(%dma_start3A_184 : memref<256x128xf32, #tpu.memory_space<hbm>>) target_semaphore(%arg10 : memref<!tpu.dma_semaphore, #tpu.memory_space<semaphore_mem>>)
    %dma_wait3A_185 = arith.constant 256 : i32
    %dma_wait3A_186 = arith.constant 0 : i32
    %dma_wait3A_187 = tpu.memref_slice %arg4[%select_n3A, %dma_wait3A_185, %select_n3A_30, %dma_wait3A_186] : memref<4x2048x8x128xf32, #tpu.memory_space<hbm>> -> memref<1x256x1x128xf32, #tpu.memory_space<hbm>>
    %dma_wait3A_188 = tpu.memref_squeeze %dma_wait3A_187 : memref<1x256x1x128xf32, #tpu.memory_space<hbm>> -> memref<256x128xf32, #tpu.memory_space<hbm>>
    %dma_wait3A_189 = arith.constant 256 : i32
    %dma_wait3A_190 = arith.constant 0 : i32
    %dma_wait3A_191 = tpu.memref_slice %arg4[%select_n3A, %dma_wait3A_189, %select_n3A_30, %dma_wait3A_190] : memref<4x2048x8x128xf32, #tpu.memory_space<hbm>> -> memref<1x256x1x128xf32, #tpu.memory_space<hbm>>
    %dma_wait3A_192 = tpu.memref_squeeze %dma_wait3A_191 : memref<1x256x1x128xf32, #tpu.memory_space<hbm>> -> memref<256x128xf32, #tpu.memory_space<hbm>>
    tpu.wait_dma2 semaphore(%arg11 : memref<!tpu.dma_semaphore, #tpu.memory_space<semaphore_mem>>) src(%arg7 : memref<256x128xf32, #tpu.memory_space<vmem>>) dst(%dma_wait3A_192 : memref<256x128xf32, #tpu.memory_space<hbm>>)
    %dma_start3A_193 = arith.constant 6 : i32
    %dma_start3A_194 = arith.constant 0 : i32
    %dma_start3A_195 = arith.constant 0 : i32
    %dma_start3A_196 = tpu.memref_slice %arg7[%dma_start3A_194, %dma_start3A_195] : memref<256x128xf32, #tpu.memory_space<vmem>> -> memref<128x128xf32, #tpu.memory_space<vmem>>
    %dma_start3A_197 = arith.constant 0 : i32
    %dma_start3A_198 = tpu.memref_slice %arg5[%dma_start3A_193, %dma_start3A_197] : memref<16x128xi32, #tpu.memory_space<vmem>> -> memref<1x128xi32, #tpu.memory_space<vmem>>
    %dma_start3A_199 = tpu.memref_squeeze %dma_start3A_198 : memref<1x128xi32, #tpu.memory_space<vmem>> -> memref<128xi32, #tpu.memory_space<vmem>>
    %dma_start3A_200 = arith.constant 0 : i32
    %dma_start3A_201 = arith.constant 0 : i32
    %dma_start3A_202 = tpu.memref_slice %arg8[%dma_start3A_200, %dma_start3A_201] : memref<4096x128xf32, #tpu.memory_space<vmem_shared>> -> memref<4096x128xf32, #tpu.memory_space<vmem_shared>>
    tpu.enqueue_indirect_dma source(%dma_start3A_202 : memref<4096x128xf32, #tpu.memory_space<vmem_shared>>) target(%dma_start3A_196 : memref<128x128xf32, #tpu.memory_space<vmem>>) offsets(%dma_start3A_199 : memref<128xi32, #tpu.memory_space<vmem>>) semaphore(%arg9 : memref<!tpu.dma_semaphore, #tpu.memory_space<semaphore_mem>>)
    %dma_start3A_203 = arith.constant 7 : i32
    %dma_start3A_204 = arith.constant 128 : i32
    %dma_start3A_205 = arith.constant 0 : i32
    %dma_start3A_206 = tpu.memref_slice %arg7[%dma_start3A_204, %dma_start3A_205] : memref<256x128xf32, #tpu.memory_space<vmem>> -> memref<128x128xf32, #tpu.memory_space<vmem>>
    %dma_start3A_207 = arith.constant 0 : i32
    %dma_start3A_208 = tpu.memref_slice %arg5[%dma_start3A_203, %dma_start3A_207] : memref<16x128xi32, #tpu.memory_space<vmem>> -> memref<1x128xi32, #tpu.memory_space<vmem>>
    %dma_start3A_209 = tpu.memref_squeeze %dma_start3A_208 : memref<1x128xi32, #tpu.memory_space<vmem>> -> memref<128xi32, #tpu.memory_space<vmem>>
    %dma_start3A_210 = arith.constant 0 : i32
    %dma_start3A_211 = arith.constant 0 : i32
    %dma_start3A_212 = tpu.memref_slice %arg8[%dma_start3A_210, %dma_start3A_211] : memref<4096x128xf32, #tpu.memory_space<vmem_shared>> -> memref<4096x128xf32, #tpu.memory_space<vmem_shared>>
    tpu.enqueue_indirect_dma source(%dma_start3A_212 : memref<4096x128xf32, #tpu.memory_space<vmem_shared>>) target(%dma_start3A_206 : memref<128x128xf32, #tpu.memory_space<vmem>>) offsets(%dma_start3A_209 : memref<128xi32, #tpu.memory_space<vmem>>) semaphore(%arg9 : memref<!tpu.dma_semaphore, #tpu.memory_space<semaphore_mem>>)
    %dma_wait3A_213 = arith.constant 6 : i32
    %dma_wait3A_214 = arith.constant 0 : i32
    %dma_wait3A_215 = arith.constant 0 : i32
    %dma_wait3A_216 = tpu.memref_slice %arg7[%dma_wait3A_214, %dma_wait3A_215] : memref<256x128xf32, #tpu.memory_space<vmem>> -> memref<128x128xf32, #tpu.memory_space<vmem>>
    %dma_wait3A_217 = arith.constant 0 : i32
    %dma_wait3A_218 = tpu.memref_slice %arg5[%dma_wait3A_213, %dma_wait3A_217] : memref<16x128xi32, #tpu.memory_space<vmem>> -> memref<1x128xi32, #tpu.memory_space<vmem>>
    %dma_wait3A_219 = tpu.memref_squeeze %dma_wait3A_218 : memref<1x128xi32, #tpu.memory_space<vmem>> -> memref<128xi32, #tpu.memory_space<vmem>>
    %dma_wait3A_220 = arith.constant 0 : i32
    %dma_wait3A_221 = arith.constant 0 : i32
    %dma_wait3A_222 = tpu.memref_slice %arg8[%dma_wait3A_220, %dma_wait3A_221] : memref<4096x128xf32, #tpu.memory_space<vmem_shared>> -> memref<4096x128xf32, #tpu.memory_space<vmem_shared>>
    tpu.wait_indirect_dma semaphore(%arg9 : memref<!tpu.dma_semaphore, #tpu.memory_space<semaphore_mem>>) src(%dma_wait3A_222 : memref<4096x128xf32, #tpu.memory_space<vmem_shared>>) dst(%dma_wait3A_216 : memref<128x128xf32, #tpu.memory_space<vmem>>)
    %dma_wait3A_223 = arith.constant 7 : i32
    %dma_wait3A_224 = arith.constant 128 : i32
    %dma_wait3A_225 = arith.constant 0 : i32
    %dma_wait3A_226 = tpu.memref_slice %arg7[%dma_wait3A_224, %dma_wait3A_225] : memref<256x128xf32, #tpu.memory_space<vmem>> -> memref<128x128xf32, #tpu.memory_space<vmem>>
    %dma_wait3A_227 = arith.constant 0 : i32
    %dma_wait3A_228 = tpu.memref_slice %arg5[%dma_wait3A_223, %dma_wait3A_227] : memref<16x128xi32, #tpu.memory_space<vmem>> -> memref<1x128xi32, #tpu.memory_space<vmem>>
    %dma_wait3A_229 = tpu.memref_squeeze %dma_wait3A_228 : memref<1x128xi32, #tpu.memory_space<vmem>> -> memref<128xi32, #tpu.memory_space<vmem>>
    %dma_wait3A_230 = arith.constant 0 : i32
    %dma_wait3A_231 = arith.constant 0 : i32
    %dma_wait3A_232 = tpu.memref_slice %arg8[%dma_wait3A_230, %dma_wait3A_231] : memref<4096x128xf32, #tpu.memory_space<vmem_shared>> -> memref<4096x128xf32, #tpu.memory_space<vmem_shared>>
    tpu.wait_indirect_dma semaphore(%arg9 : memref<!tpu.dma_semaphore, #tpu.memory_space<semaphore_mem>>) src(%dma_wait3A_232 : memref<4096x128xf32, #tpu.memory_space<vmem_shared>>) dst(%dma_wait3A_226 : memref<128x128xf32, #tpu.memory_space<vmem>>)
    %dma_start3A_233 = arith.constant 768 : i32
    %dma_start3A_234 = arith.constant 0 : i32
    %dma_start3A_235 = tpu.memref_slice %arg4[%select_n3A, %dma_start3A_233, %select_n3A_30, %dma_start3A_234] : memref<4x2048x8x128xf32, #tpu.memory_space<hbm>> -> memref<1x256x1x128xf32, #tpu.memory_space<hbm>>
    %dma_start3A_236 = tpu.memref_squeeze %dma_start3A_235 : memref<1x256x1x128xf32, #tpu.memory_space<hbm>> -> memref<256x128xf32, #tpu.memory_space<hbm>>
    %dma_start3A_237 = arith.constant 768 : i32
    %dma_start3A_238 = arith.constant 0 : i32
    %dma_start3A_239 = tpu.memref_slice %arg4[%select_n3A, %dma_start3A_237, %select_n3A_30, %dma_start3A_238] : memref<4x2048x8x128xf32, #tpu.memory_space<hbm>> -> memref<1x256x1x128xf32, #tpu.memory_space<hbm>>
    %dma_start3A_240 = tpu.memref_squeeze %dma_start3A_239 : memref<1x256x1x128xf32, #tpu.memory_space<hbm>> -> memref<256x128xf32, #tpu.memory_space<hbm>>
    tpu.enqueue_dma source(%arg7 : memref<256x128xf32, #tpu.memory_space<vmem>>) target(%dma_start3A_240 : memref<256x128xf32, #tpu.memory_space<hbm>>) target_semaphore(%arg11 : memref<!tpu.dma_semaphore, #tpu.memory_space<semaphore_mem>>)
    %dma_wait3A_241 = arith.constant 512 : i32
    %dma_wait3A_242 = arith.constant 0 : i32
    %dma_wait3A_243 = tpu.memref_slice %arg4[%select_n3A, %dma_wait3A_241, %select_n3A_30, %dma_wait3A_242] : memref<4x2048x8x128xf32, #tpu.memory_space<hbm>> -> memref<1x256x1x128xf32, #tpu.memory_space<hbm>>
    %dma_wait3A_244 = tpu.memref_squeeze %dma_wait3A_243 : memref<1x256x1x128xf32, #tpu.memory_space<hbm>> -> memref<256x128xf32, #tpu.memory_space<hbm>>
    %dma_wait3A_245 = arith.constant 512 : i32
    %dma_wait3A_246 = arith.constant 0 : i32
    %dma_wait3A_247 = tpu.memref_slice %arg4[%select_n3A, %dma_wait3A_245, %select_n3A_30, %dma_wait3A_246] : memref<4x2048x8x128xf32, #tpu.memory_space<hbm>> -> memref<1x256x1x128xf32, #tpu.memory_space<hbm>>
    %dma_wait3A_248 = tpu.memref_squeeze %dma_wait3A_247 : memref<1x256x1x128xf32, #tpu.memory_space<hbm>> -> memref<256x128xf32, #tpu.memory_space<hbm>>
    tpu.wait_dma2 semaphore(%arg10 : memref<!tpu.dma_semaphore, #tpu.memory_space<semaphore_mem>>) src(%arg6 : memref<256x128xf32, #tpu.memory_space<vmem>>) dst(%dma_wait3A_248 : memref<256x128xf32, #tpu.memory_space<hbm>>)
    %dma_start3A_249 = arith.constant 8 : i32
    %dma_start3A_250 = arith.constant 0 : i32
    %dma_start3A_251 = arith.constant 0 : i32
    %dma_start3A_252 = tpu.memref_slice %arg6[%dma_start3A_250, %dma_start3A_251] : memref<256x128xf32, #tpu.memory_space<vmem>> -> memref<128x128xf32, #tpu.memory_space<vmem>>
    %dma_start3A_253 = arith.constant 0 : i32
    %dma_start3A_254 = tpu.memref_slice %arg5[%dma_start3A_249, %dma_start3A_253] : memref<16x128xi32, #tpu.memory_space<vmem>> -> memref<1x128xi32, #tpu.memory_space<vmem>>
    %dma_start3A_255 = tpu.memref_squeeze %dma_start3A_254 : memref<1x128xi32, #tpu.memory_space<vmem>> -> memref<128xi32, #tpu.memory_space<vmem>>
    %dma_start3A_256 = arith.constant 0 : i32
    %dma_start3A_257 = arith.constant 0 : i32
    %dma_start3A_258 = tpu.memref_slice %arg8[%dma_start3A_256, %dma_start3A_257] : memref<4096x128xf32, #tpu.memory_space<vmem_shared>> -> memref<4096x128xf32, #tpu.memory_space<vmem_shared>>
    tpu.enqueue_indirect_dma source(%dma_start3A_258 : memref<4096x128xf32, #tpu.memory_space<vmem_shared>>) target(%dma_start3A_252 : memref<128x128xf32, #tpu.memory_space<vmem>>) offsets(%dma_start3A_255 : memref<128xi32, #tpu.memory_space<vmem>>) semaphore(%arg9 : memref<!tpu.dma_semaphore, #tpu.memory_space<semaphore_mem>>)
    %dma_start3A_259 = arith.constant 9 : i32
    %dma_start3A_260 = arith.constant 128 : i32
    %dma_start3A_261 = arith.constant 0 : i32
    %dma_start3A_262 = tpu.memref_slice %arg6[%dma_start3A_260, %dma_start3A_261] : memref<256x128xf32, #tpu.memory_space<vmem>> -> memref<128x128xf32, #tpu.memory_space<vmem>>
    %dma_start3A_263 = arith.constant 0 : i32
    %dma_start3A_264 = tpu.memref_slice %arg5[%dma_start3A_259, %dma_start3A_263] : memref<16x128xi32, #tpu.memory_space<vmem>> -> memref<1x128xi32, #tpu.memory_space<vmem>>
    %dma_start3A_265 = tpu.memref_squeeze %dma_start3A_264 : memref<1x128xi32, #tpu.memory_space<vmem>> -> memref<128xi32, #tpu.memory_space<vmem>>
    %dma_start3A_266 = arith.constant 0 : i32
    %dma_start3A_267 = arith.constant 0 : i32
    %dma_start3A_268 = tpu.memref_slice %arg8[%dma_start3A_266, %dma_start3A_267] : memref<4096x128xf32, #tpu.memory_space<vmem_shared>> -> memref<4096x128xf32, #tpu.memory_space<vmem_shared>>
    tpu.enqueue_indirect_dma source(%dma_start3A_268 : memref<4096x128xf32, #tpu.memory_space<vmem_shared>>) target(%dma_start3A_262 : memref<128x128xf32, #tpu.memory_space<vmem>>) offsets(%dma_start3A_265 : memref<128xi32, #tpu.memory_space<vmem>>) semaphore(%arg9 : memref<!tpu.dma_semaphore, #tpu.memory_space<semaphore_mem>>)
    %dma_wait3A_269 = arith.constant 8 : i32
    %dma_wait3A_270 = arith.constant 0 : i32
    %dma_wait3A_271 = arith.constant 0 : i32
    %dma_wait3A_272 = tpu.memref_slice %arg6[%dma_wait3A_270, %dma_wait3A_271] : memref<256x128xf32, #tpu.memory_space<vmem>> -> memref<128x128xf32, #tpu.memory_space<vmem>>
    %dma_wait3A_273 = arith.constant 0 : i32
    %dma_wait3A_274 = tpu.memref_slice %arg5[%dma_wait3A_269, %dma_wait3A_273] : memref<16x128xi32, #tpu.memory_space<vmem>> -> memref<1x128xi32, #tpu.memory_space<vmem>>
    %dma_wait3A_275 = tpu.memref_squeeze %dma_wait3A_274 : memref<1x128xi32, #tpu.memory_space<vmem>> -> memref<128xi32, #tpu.memory_space<vmem>>
    %dma_wait3A_276 = arith.constant 0 : i32
    %dma_wait3A_277 = arith.constant 0 : i32
    %dma_wait3A_278 = tpu.memref_slice %arg8[%dma_wait3A_276, %dma_wait3A_277] : memref<4096x128xf32, #tpu.memory_space<vmem_shared>> -> memref<4096x128xf32, #tpu.memory_space<vmem_shared>>
    tpu.wait_indirect_dma semaphore(%arg9 : memref<!tpu.dma_semaphore, #tpu.memory_space<semaphore_mem>>) src(%dma_wait3A_278 : memref<4096x128xf32, #tpu.memory_space<vmem_shared>>) dst(%dma_wait3A_272 : memref<128x128xf32, #tpu.memory_space<vmem>>)
    %dma_wait3A_279 = arith.constant 9 : i32
    %dma_wait3A_280 = arith.constant 128 : i32
    %dma_wait3A_281 = arith.constant 0 : i32
    %dma_wait3A_282 = tpu.memref_slice %arg6[%dma_wait3A_280, %dma_wait3A_281] : memref<256x128xf32, #tpu.memory_space<vmem>> -> memref<128x128xf32, #tpu.memory_space<vmem>>
    %dma_wait3A_283 = arith.constant 0 : i32
    %dma_wait3A_284 = tpu.memref_slice %arg5[%dma_wait3A_279, %dma_wait3A_283] : memref<16x128xi32, #tpu.memory_space<vmem>> -> memref<1x128xi32, #tpu.memory_space<vmem>>
    %dma_wait3A_285 = tpu.memref_squeeze %dma_wait3A_284 : memref<1x128xi32, #tpu.memory_space<vmem>> -> memref<128xi32, #tpu.memory_space<vmem>>
    %dma_wait3A_286 = arith.constant 0 : i32
    %dma_wait3A_287 = arith.constant 0 : i32
    %dma_wait3A_288 = tpu.memref_slice %arg8[%dma_wait3A_286, %dma_wait3A_287] : memref<4096x128xf32, #tpu.memory_space<vmem_shared>> -> memref<4096x128xf32, #tpu.memory_space<vmem_shared>>
    tpu.wait_indirect_dma semaphore(%arg9 : memref<!tpu.dma_semaphore, #tpu.memory_space<semaphore_mem>>) src(%dma_wait3A_288 : memref<4096x128xf32, #tpu.memory_space<vmem_shared>>) dst(%dma_wait3A_282 : memref<128x128xf32, #tpu.memory_space<vmem>>)
    %dma_start3A_289 = arith.constant 1024 : i32
    %dma_start3A_290 = arith.constant 0 : i32
    %dma_start3A_291 = tpu.memref_slice %arg4[%select_n3A, %dma_start3A_289, %select_n3A_30, %dma_start3A_290] : memref<4x2048x8x128xf32, #tpu.memory_space<hbm>> -> memref<1x256x1x128xf32, #tpu.memory_space<hbm>>
    %dma_start3A_292 = tpu.memref_squeeze %dma_start3A_291 : memref<1x256x1x128xf32, #tpu.memory_space<hbm>> -> memref<256x128xf32, #tpu.memory_space<hbm>>
    %dma_start3A_293 = arith.constant 1024 : i32
    %dma_start3A_294 = arith.constant 0 : i32
    %dma_start3A_295 = tpu.memref_slice %arg4[%select_n3A, %dma_start3A_293, %select_n3A_30, %dma_start3A_294] : memref<4x2048x8x128xf32, #tpu.memory_space<hbm>> -> memref<1x256x1x128xf32, #tpu.memory_space<hbm>>
    %dma_start3A_296 = tpu.memref_squeeze %dma_start3A_295 : memref<1x256x1x128xf32, #tpu.memory_space<hbm>> -> memref<256x128xf32, #tpu.memory_space<hbm>>
    tpu.enqueue_dma source(%arg6 : memref<256x128xf32, #tpu.memory_space<vmem>>) target(%dma_start3A_296 : memref<256x128xf32, #tpu.memory_space<hbm>>) target_semaphore(%arg10 : memref<!tpu.dma_semaphore, #tpu.memory_space<semaphore_mem>>)
    %dma_wait3A_297 = arith.constant 768 : i32
    %dma_wait3A_298 = arith.constant 0 : i32
    %dma_wait3A_299 = tpu.memref_slice %arg4[%select_n3A, %dma_wait3A_297, %select_n3A_30, %dma_wait3A_298] : memref<4x2048x8x128xf32, #tpu.memory_space<hbm>> -> memref<1x256x1x128xf32, #tpu.memory_space<hbm>>
    %dma_wait3A_300 = tpu.memref_squeeze %dma_wait3A_299 : memref<1x256x1x128xf32, #tpu.memory_space<hbm>> -> memref<256x128xf32, #tpu.memory_space<hbm>>
    %dma_wait3A_301 = arith.constant 768 : i32
    %dma_wait3A_302 = arith.constant 0 : i32
    %dma_wait3A_303 = tpu.memref_slice %arg4[%select_n3A, %dma_wait3A_301, %select_n3A_30, %dma_wait3A_302] : memref<4x2048x8x128xf32, #tpu.memory_space<hbm>> -> memref<1x256x1x128xf32, #tpu.memory_space<hbm>>
    %dma_wait3A_304 = tpu.memref_squeeze %dma_wait3A_303 : memref<1x256x1x128xf32, #tpu.memory_space<hbm>> -> memref<256x128xf32, #tpu.memory_space<hbm>>
    tpu.wait_dma2 semaphore(%arg11 : memref<!tpu.dma_semaphore, #tpu.memory_space<semaphore_mem>>) src(%arg7 : memref<256x128xf32, #tpu.memory_space<vmem>>) dst(%dma_wait3A_304 : memref<256x128xf32, #tpu.memory_space<hbm>>)
    %dma_start3A_305 = arith.constant 10 : i32
    %dma_start3A_306 = arith.constant 0 : i32
    %dma_start3A_307 = arith.constant 0 : i32
    %dma_start3A_308 = tpu.memref_slice %arg7[%dma_start3A_306, %dma_start3A_307] : memref<256x128xf32, #tpu.memory_space<vmem>> -> memref<128x128xf32, #tpu.memory_space<vmem>>
    %dma_start3A_309 = arith.constant 0 : i32
    %dma_start3A_310 = tpu.memref_slice %arg5[%dma_start3A_305, %dma_start3A_309] : memref<16x128xi32, #tpu.memory_space<vmem>> -> memref<1x128xi32, #tpu.memory_space<vmem>>
    %dma_start3A_311 = tpu.memref_squeeze %dma_start3A_310 : memref<1x128xi32, #tpu.memory_space<vmem>> -> memref<128xi32, #tpu.memory_space<vmem>>
    %dma_start3A_312 = arith.constant 0 : i32
    %dma_start3A_313 = arith.constant 0 : i32
    %dma_start3A_314 = tpu.memref_slice %arg8[%dma_start3A_312, %dma_start3A_313] : memref<4096x128xf32, #tpu.memory_space<vmem_shared>> -> memref<4096x128xf32, #tpu.memory_space<vmem_shared>>
    tpu.enqueue_indirect_dma source(%dma_start3A_314 : memref<4096x128xf32, #tpu.memory_space<vmem_shared>>) target(%dma_start3A_308 : memref<128x128xf32, #tpu.memory_space<vmem>>) offsets(%dma_start3A_311 : memref<128xi32, #tpu.memory_space<vmem>>) semaphore(%arg9 : memref<!tpu.dma_semaphore, #tpu.memory_space<semaphore_mem>>)
    %dma_start3A_315 = arith.constant 11 : i32
    %dma_start3A_316 = arith.constant 128 : i32
    %dma_start3A_317 = arith.constant 0 : i32
    %dma_start3A_318 = tpu.memref_slice %arg7[%dma_start3A_316, %dma_start3A_317] : memref<256x128xf32, #tpu.memory_space<vmem>> -> memref<128x128xf32, #tpu.memory_space<vmem>>
    %dma_start3A_319 = arith.constant 0 : i32
    %dma_start3A_320 = tpu.memref_slice %arg5[%dma_start3A_315, %dma_start3A_319] : memref<16x128xi32, #tpu.memory_space<vmem>> -> memref<1x128xi32, #tpu.memory_space<vmem>>
    %dma_start3A_321 = tpu.memref_squeeze %dma_start3A_320 : memref<1x128xi32, #tpu.memory_space<vmem>> -> memref<128xi32, #tpu.memory_space<vmem>>
    %dma_start3A_322 = arith.constant 0 : i32
    %dma_start3A_323 = arith.constant 0 : i32
    %dma_start3A_324 = tpu.memref_slice %arg8[%dma_start3A_322, %dma_start3A_323] : memref<4096x128xf32, #tpu.memory_space<vmem_shared>> -> memref<4096x128xf32, #tpu.memory_space<vmem_shared>>
    tpu.enqueue_indirect_dma source(%dma_start3A_324 : memref<4096x128xf32, #tpu.memory_space<vmem_shared>>) target(%dma_start3A_318 : memref<128x128xf32, #tpu.memory_space<vmem>>) offsets(%dma_start3A_321 : memref<128xi32, #tpu.memory_space<vmem>>) semaphore(%arg9 : memref<!tpu.dma_semaphore, #tpu.memory_space<semaphore_mem>>)
    %dma_wait3A_325 = arith.constant 10 : i32
    %dma_wait3A_326 = arith.constant 0 : i32
    %dma_wait3A_327 = arith.constant 0 : i32
    %dma_wait3A_328 = tpu.memref_slice %arg7[%dma_wait3A_326, %dma_wait3A_327] : memref<256x128xf32, #tpu.memory_space<vmem>> -> memref<128x128xf32, #tpu.memory_space<vmem>>
    %dma_wait3A_329 = arith.constant 0 : i32
    %dma_wait3A_330 = tpu.memref_slice %arg5[%dma_wait3A_325, %dma_wait3A_329] : memref<16x128xi32, #tpu.memory_space<vmem>> -> memref<1x128xi32, #tpu.memory_space<vmem>>
    %dma_wait3A_331 = tpu.memref_squeeze %dma_wait3A_330 : memref<1x128xi32, #tpu.memory_space<vmem>> -> memref<128xi32, #tpu.memory_space<vmem>>
    %dma_wait3A_332 = arith.constant 0 : i32
    %dma_wait3A_333 = arith.constant 0 : i32
    %dma_wait3A_334 = tpu.memref_slice %arg8[%dma_wait3A_332, %dma_wait3A_333] : memref<4096x128xf32, #tpu.memory_space<vmem_shared>> -> memref<4096x128xf32, #tpu.memory_space<vmem_shared>>
    tpu.wait_indirect_dma semaphore(%arg9 : memref<!tpu.dma_semaphore, #tpu.memory_space<semaphore_mem>>) src(%dma_wait3A_334 : memref<4096x128xf32, #tpu.memory_space<vmem_shared>>) dst(%dma_wait3A_328 : memref<128x128xf32, #tpu.memory_space<vmem>>)
    %dma_wait3A_335 = arith.constant 11 : i32
    %dma_wait3A_336 = arith.constant 128 : i32
    %dma_wait3A_337 = arith.constant 0 : i32
    %dma_wait3A_338 = tpu.memref_slice %arg7[%dma_wait3A_336, %dma_wait3A_337] : memref<256x128xf32, #tpu.memory_space<vmem>> -> memref<128x128xf32, #tpu.memory_space<vmem>>
    %dma_wait3A_339 = arith.constant 0 : i32
    %dma_wait3A_340 = tpu.memref_slice %arg5[%dma_wait3A_335, %dma_wait3A_339] : memref<16x128xi32, #tpu.memory_space<vmem>> -> memref<1x128xi32, #tpu.memory_space<vmem>>
    %dma_wait3A_341 = tpu.memref_squeeze %dma_wait3A_340 : memref<1x128xi32, #tpu.memory_space<vmem>> -> memref<128xi32, #tpu.memory_space<vmem>>
    %dma_wait3A_342 = arith.constant 0 : i32
    %dma_wait3A_343 = arith.constant 0 : i32
    %dma_wait3A_344 = tpu.memref_slice %arg8[%dma_wait3A_342, %dma_wait3A_343] : memref<4096x128xf32, #tpu.memory_space<vmem_shared>> -> memref<4096x128xf32, #tpu.memory_space<vmem_shared>>
    tpu.wait_indirect_dma semaphore(%arg9 : memref<!tpu.dma_semaphore, #tpu.memory_space<semaphore_mem>>) src(%dma_wait3A_344 : memref<4096x128xf32, #tpu.memory_space<vmem_shared>>) dst(%dma_wait3A_338 : memref<128x128xf32, #tpu.memory_space<vmem>>)
    %dma_start3A_345 = arith.constant 1280 : i32
    %dma_start3A_346 = arith.constant 0 : i32
    %dma_start3A_347 = tpu.memref_slice %arg4[%select_n3A, %dma_start3A_345, %select_n3A_30, %dma_start3A_346] : memref<4x2048x8x128xf32, #tpu.memory_space<hbm>> -> memref<1x256x1x128xf32, #tpu.memory_space<hbm>>
    %dma_start3A_348 = tpu.memref_squeeze %dma_start3A_347 : memref<1x256x1x128xf32, #tpu.memory_space<hbm>> -> memref<256x128xf32, #tpu.memory_space<hbm>>
    %dma_start3A_349 = arith.constant 1280 : i32
    %dma_start3A_350 = arith.constant 0 : i32
    %dma_start3A_351 = tpu.memref_slice %arg4[%select_n3A, %dma_start3A_349, %select_n3A_30, %dma_start3A_350] : memref<4x2048x8x128xf32, #tpu.memory_space<hbm>> -> memref<1x256x1x128xf32, #tpu.memory_space<hbm>>
    %dma_start3A_352 = tpu.memref_squeeze %dma_start3A_351 : memref<1x256x1x128xf32, #tpu.memory_space<hbm>> -> memref<256x128xf32, #tpu.memory_space<hbm>>
    tpu.enqueue_dma source(%arg7 : memref<256x128xf32, #tpu.memory_space<vmem>>) target(%dma_start3A_352 : memref<256x128xf32, #tpu.memory_space<hbm>>) target_semaphore(%arg11 : memref<!tpu.dma_semaphore, #tpu.memory_space<semaphore_mem>>)
    %dma_wait3A_353 = arith.constant 1024 : i32
    %dma_wait3A_354 = arith.constant 0 : i32
    %dma_wait3A_355 = tpu.memref_slice %arg4[%select_n3A, %dma_wait3A_353, %select_n3A_30, %dma_wait3A_354] : memref<4x2048x8x128xf32, #tpu.memory_space<hbm>> -> memref<1x256x1x128xf32, #tpu.memory_space<hbm>>
    %dma_wait3A_356 = tpu.memref_squeeze %dma_wait3A_355 : memref<1x256x1x128xf32, #tpu.memory_space<hbm>> -> memref<256x128xf32, #tpu.memory_space<hbm>>
    %dma_wait3A_357 = arith.constant 1024 : i32
    %dma_wait3A_358 = arith.constant 0 : i32
    %dma_wait3A_359 = tpu.memref_slice %arg4[%select_n3A, %dma_wait3A_357, %select_n3A_30, %dma_wait3A_358] : memref<4x2048x8x128xf32, #tpu.memory_space<hbm>> -> memref<1x256x1x128xf32, #tpu.memory_space<hbm>>
    %dma_wait3A_360 = tpu.memref_squeeze %dma_wait3A_359 : memref<1x256x1x128xf32, #tpu.memory_space<hbm>> -> memref<256x128xf32, #tpu.memory_space<hbm>>
    tpu.wait_dma2 semaphore(%arg10 : memref<!tpu.dma_semaphore, #tpu.memory_space<semaphore_mem>>) src(%arg6 : memref<256x128xf32, #tpu.memory_space<vmem>>) dst(%dma_wait3A_360 : memref<256x128xf32, #tpu.memory_space<hbm>>)
    %dma_start3A_361 = arith.constant 12 : i32
    %dma_start3A_362 = arith.constant 0 : i32
    %dma_start3A_363 = arith.constant 0 : i32
    %dma_start3A_364 = tpu.memref_slice %arg6[%dma_start3A_362, %dma_start3A_363] : memref<256x128xf32, #tpu.memory_space<vmem>> -> memref<128x128xf32, #tpu.memory_space<vmem>>
    %dma_start3A_365 = arith.constant 0 : i32
    %dma_start3A_366 = tpu.memref_slice %arg5[%dma_start3A_361, %dma_start3A_365] : memref<16x128xi32, #tpu.memory_space<vmem>> -> memref<1x128xi32, #tpu.memory_space<vmem>>
    %dma_start3A_367 = tpu.memref_squeeze %dma_start3A_366 : memref<1x128xi32, #tpu.memory_space<vmem>> -> memref<128xi32, #tpu.memory_space<vmem>>
    %dma_start3A_368 = arith.constant 0 : i32
    %dma_start3A_369 = arith.constant 0 : i32
    %dma_start3A_370 = tpu.memref_slice %arg8[%dma_start3A_368, %dma_start3A_369] : memref<4096x128xf32, #tpu.memory_space<vmem_shared>> -> memref<4096x128xf32, #tpu.memory_space<vmem_shared>>
    tpu.enqueue_indirect_dma source(%dma_start3A_370 : memref<4096x128xf32, #tpu.memory_space<vmem_shared>>) target(%dma_start3A_364 : memref<128x128xf32, #tpu.memory_space<vmem>>) offsets(%dma_start3A_367 : memref<128xi32, #tpu.memory_space<vmem>>) semaphore(%arg9 : memref<!tpu.dma_semaphore, #tpu.memory_space<semaphore_mem>>)
    %dma_start3A_371 = arith.constant 13 : i32
    %dma_start3A_372 = arith.constant 128 : i32
    %dma_start3A_373 = arith.constant 0 : i32
    %dma_start3A_374 = tpu.memref_slice %arg6[%dma_start3A_372, %dma_start3A_373] : memref<256x128xf32, #tpu.memory_space<vmem>> -> memref<128x128xf32, #tpu.memory_space<vmem>>
    %dma_start3A_375 = arith.constant 0 : i32
    %dma_start3A_376 = tpu.memref_slice %arg5[%dma_start3A_371, %dma_start3A_375] : memref<16x128xi32, #tpu.memory_space<vmem>> -> memref<1x128xi32, #tpu.memory_space<vmem>>
    %dma_start3A_377 = tpu.memref_squeeze %dma_start3A_376 : memref<1x128xi32, #tpu.memory_space<vmem>> -> memref<128xi32, #tpu.memory_space<vmem>>
    %dma_start3A_378 = arith.constant 0 : i32
    %dma_start3A_379 = arith.constant 0 : i32
    %dma_start3A_380 = tpu.memref_slice %arg8[%dma_start3A_378, %dma_start3A_379] : memref<4096x128xf32, #tpu.memory_space<vmem_shared>> -> memref<4096x128xf32, #tpu.memory_space<vmem_shared>>
    tpu.enqueue_indirect_dma source(%dma_start3A_380 : memref<4096x128xf32, #tpu.memory_space<vmem_shared>>) target(%dma_start3A_374 : memref<128x128xf32, #tpu.memory_space<vmem>>) offsets(%dma_start3A_377 : memref<128xi32, #tpu.memory_space<vmem>>) semaphore(%arg9 : memref<!tpu.dma_semaphore, #tpu.memory_space<semaphore_mem>>)
    %dma_wait3A_381 = arith.constant 12 : i32
    %dma_wait3A_382 = arith.constant 0 : i32
    %dma_wait3A_383 = arith.constant 0 : i32
    %dma_wait3A_384 = tpu.memref_slice %arg6[%dma_wait3A_382, %dma_wait3A_383] : memref<256x128xf32, #tpu.memory_space<vmem>> -> memref<128x128xf32, #tpu.memory_space<vmem>>
    %dma_wait3A_385 = arith.constant 0 : i32
    %dma_wait3A_386 = tpu.memref_slice %arg5[%dma_wait3A_381, %dma_wait3A_385] : memref<16x128xi32, #tpu.memory_space<vmem>> -> memref<1x128xi32, #tpu.memory_space<vmem>>
    %dma_wait3A_387 = tpu.memref_squeeze %dma_wait3A_386 : memref<1x128xi32, #tpu.memory_space<vmem>> -> memref<128xi32, #tpu.memory_space<vmem>>
    %dma_wait3A_388 = arith.constant 0 : i32
    %dma_wait3A_389 = arith.constant 0 : i32
    %dma_wait3A_390 = tpu.memref_slice %arg8[%dma_wait3A_388, %dma_wait3A_389] : memref<4096x128xf32, #tpu.memory_space<vmem_shared>> -> memref<4096x128xf32, #tpu.memory_space<vmem_shared>>
    tpu.wait_indirect_dma semaphore(%arg9 : memref<!tpu.dma_semaphore, #tpu.memory_space<semaphore_mem>>) src(%dma_wait3A_390 : memref<4096x128xf32, #tpu.memory_space<vmem_shared>>) dst(%dma_wait3A_384 : memref<128x128xf32, #tpu.memory_space<vmem>>)
    %dma_wait3A_391 = arith.constant 13 : i32
    %dma_wait3A_392 = arith.constant 128 : i32
    %dma_wait3A_393 = arith.constant 0 : i32
    %dma_wait3A_394 = tpu.memref_slice %arg6[%dma_wait3A_392, %dma_wait3A_393] : memref<256x128xf32, #tpu.memory_space<vmem>> -> memref<128x128xf32, #tpu.memory_space<vmem>>
    %dma_wait3A_395 = arith.constant 0 : i32
    %dma_wait3A_396 = tpu.memref_slice %arg5[%dma_wait3A_391, %dma_wait3A_395] : memref<16x128xi32, #tpu.memory_space<vmem>> -> memref<1x128xi32, #tpu.memory_space<vmem>>
    %dma_wait3A_397 = tpu.memref_squeeze %dma_wait3A_396 : memref<1x128xi32, #tpu.memory_space<vmem>> -> memref<128xi32, #tpu.memory_space<vmem>>
    %dma_wait3A_398 = arith.constant 0 : i32
    %dma_wait3A_399 = arith.constant 0 : i32
    %dma_wait3A_400 = tpu.memref_slice %arg8[%dma_wait3A_398, %dma_wait3A_399] : memref<4096x128xf32, #tpu.memory_space<vmem_shared>> -> memref<4096x128xf32, #tpu.memory_space<vmem_shared>>
    tpu.wait_indirect_dma semaphore(%arg9 : memref<!tpu.dma_semaphore, #tpu.memory_space<semaphore_mem>>) src(%dma_wait3A_400 : memref<4096x128xf32, #tpu.memory_space<vmem_shared>>) dst(%dma_wait3A_394 : memref<128x128xf32, #tpu.memory_space<vmem>>)
    %dma_start3A_401 = arith.constant 1536 : i32
    %dma_start3A_402 = arith.constant 0 : i32
    %dma_start3A_403 = tpu.memref_slice %arg4[%select_n3A, %dma_start3A_401, %select_n3A_30, %dma_start3A_402] : memref<4x2048x8x128xf32, #tpu.memory_space<hbm>> -> memref<1x256x1x128xf32, #tpu.memory_space<hbm>>
    %dma_start3A_404 = tpu.memref_squeeze %dma_start3A_403 : memref<1x256x1x128xf32, #tpu.memory_space<hbm>> -> memref<256x128xf32, #tpu.memory_space<hbm>>
    %dma_start3A_405 = arith.constant 1536 : i32
    %dma_start3A_406 = arith.constant 0 : i32
    %dma_start3A_407 = tpu.memref_slice %arg4[%select_n3A, %dma_start3A_405, %select_n3A_30, %dma_start3A_406] : memref<4x2048x8x128xf32, #tpu.memory_space<hbm>> -> memref<1x256x1x128xf32, #tpu.memory_space<hbm>>
    %dma_start3A_408 = tpu.memref_squeeze %dma_start3A_407 : memref<1x256x1x128xf32, #tpu.memory_space<hbm>> -> memref<256x128xf32, #tpu.memory_space<hbm>>
    tpu.enqueue_dma source(%arg6 : memref<256x128xf32, #tpu.memory_space<vmem>>) target(%dma_start3A_408 : memref<256x128xf32, #tpu.memory_space<hbm>>) target_semaphore(%arg10 : memref<!tpu.dma_semaphore, #tpu.memory_space<semaphore_mem>>)
    %dma_wait3A_409 = arith.constant 1280 : i32
    %dma_wait3A_410 = arith.constant 0 : i32
    %dma_wait3A_411 = tpu.memref_slice %arg4[%select_n3A, %dma_wait3A_409, %select_n3A_30, %dma_wait3A_410] : memref<4x2048x8x128xf32, #tpu.memory_space<hbm>> -> memref<1x256x1x128xf32, #tpu.memory_space<hbm>>
    %dma_wait3A_412 = tpu.memref_squeeze %dma_wait3A_411 : memref<1x256x1x128xf32, #tpu.memory_space<hbm>> -> memref<256x128xf32, #tpu.memory_space<hbm>>
    %dma_wait3A_413 = arith.constant 1280 : i32
    %dma_wait3A_414 = arith.constant 0 : i32
    %dma_wait3A_415 = tpu.memref_slice %arg4[%select_n3A, %dma_wait3A_413, %select_n3A_30, %dma_wait3A_414] : memref<4x2048x8x128xf32, #tpu.memory_space<hbm>> -> memref<1x256x1x128xf32, #tpu.memory_space<hbm>>
    %dma_wait3A_416 = tpu.memref_squeeze %dma_wait3A_415 : memref<1x256x1x128xf32, #tpu.memory_space<hbm>> -> memref<256x128xf32, #tpu.memory_space<hbm>>
    tpu.wait_dma2 semaphore(%arg11 : memref<!tpu.dma_semaphore, #tpu.memory_space<semaphore_mem>>) src(%arg7 : memref<256x128xf32, #tpu.memory_space<vmem>>) dst(%dma_wait3A_416 : memref<256x128xf32, #tpu.memory_space<hbm>>)
    %dma_start3A_417 = arith.constant 14 : i32
    %dma_start3A_418 = arith.constant 0 : i32
    %dma_start3A_419 = arith.constant 0 : i32
    %dma_start3A_420 = tpu.memref_slice %arg7[%dma_start3A_418, %dma_start3A_419] : memref<256x128xf32, #tpu.memory_space<vmem>> -> memref<128x128xf32, #tpu.memory_space<vmem>>
    %dma_start3A_421 = arith.constant 0 : i32
    %dma_start3A_422 = tpu.memref_slice %arg5[%dma_start3A_417, %dma_start3A_421] : memref<16x128xi32, #tpu.memory_space<vmem>> -> memref<1x128xi32, #tpu.memory_space<vmem>>
    %dma_start3A_423 = tpu.memref_squeeze %dma_start3A_422 : memref<1x128xi32, #tpu.memory_space<vmem>> -> memref<128xi32, #tpu.memory_space<vmem>>
    %dma_start3A_424 = arith.constant 0 : i32
    %dma_start3A_425 = arith.constant 0 : i32
    %dma_start3A_426 = tpu.memref_slice %arg8[%dma_start3A_424, %dma_start3A_425] : memref<4096x128xf32, #tpu.memory_space<vmem_shared>> -> memref<4096x128xf32, #tpu.memory_space<vmem_shared>>
    tpu.enqueue_indirect_dma source(%dma_start3A_426 : memref<4096x128xf32, #tpu.memory_space<vmem_shared>>) target(%dma_start3A_420 : memref<128x128xf32, #tpu.memory_space<vmem>>) offsets(%dma_start3A_423 : memref<128xi32, #tpu.memory_space<vmem>>) semaphore(%arg9 : memref<!tpu.dma_semaphore, #tpu.memory_space<semaphore_mem>>)
    %dma_start3A_427 = arith.constant 15 : i32
    %dma_start3A_428 = arith.constant 128 : i32
    %dma_start3A_429 = arith.constant 0 : i32
    %dma_start3A_430 = tpu.memref_slice %arg7[%dma_start3A_428, %dma_start3A_429] : memref<256x128xf32, #tpu.memory_space<vmem>> -> memref<128x128xf32, #tpu.memory_space<vmem>>
    %dma_start3A_431 = arith.constant 0 : i32
    %dma_start3A_432 = tpu.memref_slice %arg5[%dma_start3A_427, %dma_start3A_431] : memref<16x128xi32, #tpu.memory_space<vmem>> -> memref<1x128xi32, #tpu.memory_space<vmem>>
    %dma_start3A_433 = tpu.memref_squeeze %dma_start3A_432 : memref<1x128xi32, #tpu.memory_space<vmem>> -> memref<128xi32, #tpu.memory_space<vmem>>
    %dma_start3A_434 = arith.constant 0 : i32
    %dma_start3A_435 = arith.constant 0 : i32
    %dma_start3A_436 = tpu.memref_slice %arg8[%dma_start3A_434, %dma_start3A_435] : memref<4096x128xf32, #tpu.memory_space<vmem_shared>> -> memref<4096x128xf32, #tpu.memory_space<vmem_shared>>
    tpu.enqueue_indirect_dma source(%dma_start3A_436 : memref<4096x128xf32, #tpu.memory_space<vmem_shared>>) target(%dma_start3A_430 : memref<128x128xf32, #tpu.memory_space<vmem>>) offsets(%dma_start3A_433 : memref<128xi32, #tpu.memory_space<vmem>>) semaphore(%arg9 : memref<!tpu.dma_semaphore, #tpu.memory_space<semaphore_mem>>)
    %dma_wait3A_437 = arith.constant 14 : i32
    %dma_wait3A_438 = arith.constant 0 : i32
    %dma_wait3A_439 = arith.constant 0 : i32
    %dma_wait3A_440 = tpu.memref_slice %arg7[%dma_wait3A_438, %dma_wait3A_439] : memref<256x128xf32, #tpu.memory_space<vmem>> -> memref<128x128xf32, #tpu.memory_space<vmem>>
    %dma_wait3A_441 = arith.constant 0 : i32
    %dma_wait3A_442 = tpu.memref_slice %arg5[%dma_wait3A_437, %dma_wait3A_441] : memref<16x128xi32, #tpu.memory_space<vmem>> -> memref<1x128xi32, #tpu.memory_space<vmem>>
    %dma_wait3A_443 = tpu.memref_squeeze %dma_wait3A_442 : memref<1x128xi32, #tpu.memory_space<vmem>> -> memref<128xi32, #tpu.memory_space<vmem>>
    %dma_wait3A_444 = arith.constant 0 : i32
    %dma_wait3A_445 = arith.constant 0 : i32
    %dma_wait3A_446 = tpu.memref_slice %arg8[%dma_wait3A_444, %dma_wait3A_445] : memref<4096x128xf32, #tpu.memory_space<vmem_shared>> -> memref<4096x128xf32, #tpu.memory_space<vmem_shared>>
    tpu.wait_indirect_dma semaphore(%arg9 : memref<!tpu.dma_semaphore, #tpu.memory_space<semaphore_mem>>) src(%dma_wait3A_446 : memref<4096x128xf32, #tpu.memory_space<vmem_shared>>) dst(%dma_wait3A_440 : memref<128x128xf32, #tpu.memory_space<vmem>>)
    %dma_wait3A_447 = arith.constant 15 : i32
    %dma_wait3A_448 = arith.constant 128 : i32
    %dma_wait3A_449 = arith.constant 0 : i32
    %dma_wait3A_450 = tpu.memref_slice %arg7[%dma_wait3A_448, %dma_wait3A_449] : memref<256x128xf32, #tpu.memory_space<vmem>> -> memref<128x128xf32, #tpu.memory_space<vmem>>
    %dma_wait3A_451 = arith.constant 0 : i32
    %dma_wait3A_452 = tpu.memref_slice %arg5[%dma_wait3A_447, %dma_wait3A_451] : memref<16x128xi32, #tpu.memory_space<vmem>> -> memref<1x128xi32, #tpu.memory_space<vmem>>
    %dma_wait3A_453 = tpu.memref_squeeze %dma_wait3A_452 : memref<1x128xi32, #tpu.memory_space<vmem>> -> memref<128xi32, #tpu.memory_space<vmem>>
    %dma_wait3A_454 = arith.constant 0 : i32
    %dma_wait3A_455 = arith.constant 0 : i32
    %dma_wait3A_456 = tpu.memref_slice %arg8[%dma_wait3A_454, %dma_wait3A_455] : memref<4096x128xf32, #tpu.memory_space<vmem_shared>> -> memref<4096x128xf32, #tpu.memory_space<vmem_shared>>
    tpu.wait_indirect_dma semaphore(%arg9 : memref<!tpu.dma_semaphore, #tpu.memory_space<semaphore_mem>>) src(%dma_wait3A_456 : memref<4096x128xf32, #tpu.memory_space<vmem_shared>>) dst(%dma_wait3A_450 : memref<128x128xf32, #tpu.memory_space<vmem>>)
    %dma_start3A_457 = arith.constant 1792 : i32
    %dma_start3A_458 = arith.constant 0 : i32
    %dma_start3A_459 = tpu.memref_slice %arg4[%select_n3A, %dma_start3A_457, %select_n3A_30, %dma_start3A_458] : memref<4x2048x8x128xf32, #tpu.memory_space<hbm>> -> memref<1x256x1x128xf32, #tpu.memory_space<hbm>>
    %dma_start3A_460 = tpu.memref_squeeze %dma_start3A_459 : memref<1x256x1x128xf32, #tpu.memory_space<hbm>> -> memref<256x128xf32, #tpu.memory_space<hbm>>
    %dma_start3A_461 = arith.constant 1792 : i32
    %dma_start3A_462 = arith.constant 0 : i32
    %dma_start3A_463 = tpu.memref_slice %arg4[%select_n3A, %dma_start3A_461, %select_n3A_30, %dma_start3A_462] : memref<4x2048x8x128xf32, #tpu.memory_space<hbm>> -> memref<1x256x1x128xf32, #tpu.memory_space<hbm>>
    %dma_start3A_464 = tpu.memref_squeeze %dma_start3A_463 : memref<1x256x1x128xf32, #tpu.memory_space<hbm>> -> memref<256x128xf32, #tpu.memory_space<hbm>>
    tpu.enqueue_dma source(%arg7 : memref<256x128xf32, #tpu.memory_space<vmem>>) target(%dma_start3A_464 : memref<256x128xf32, #tpu.memory_space<hbm>>) target_semaphore(%arg11 : memref<!tpu.dma_semaphore, #tpu.memory_space<semaphore_mem>>)
    %dma_wait3A_465 = arith.constant 1536 : i32
    %dma_wait3A_466 = arith.constant 0 : i32
    %dma_wait3A_467 = tpu.memref_slice %arg4[%select_n3A, %dma_wait3A_465, %select_n3A_30, %dma_wait3A_466] : memref<4x2048x8x128xf32, #tpu.memory_space<hbm>> -> memref<1x256x1x128xf32, #tpu.memory_space<hbm>>
    %dma_wait3A_468 = tpu.memref_squeeze %dma_wait3A_467 : memref<1x256x1x128xf32, #tpu.memory_space<hbm>> -> memref<256x128xf32, #tpu.memory_space<hbm>>
    %dma_wait3A_469 = arith.constant 1536 : i32
    %dma_wait3A_470 = arith.constant 0 : i32
    %dma_wait3A_471 = tpu.memref_slice %arg4[%select_n3A, %dma_wait3A_469, %select_n3A_30, %dma_wait3A_470] : memref<4x2048x8x128xf32, #tpu.memory_space<hbm>> -> memref<1x256x1x128xf32, #tpu.memory_space<hbm>>
    %dma_wait3A_472 = tpu.memref_squeeze %dma_wait3A_471 : memref<1x256x1x128xf32, #tpu.memory_space<hbm>> -> memref<256x128xf32, #tpu.memory_space<hbm>>
    tpu.wait_dma2 semaphore(%arg10 : memref<!tpu.dma_semaphore, #tpu.memory_space<semaphore_mem>>) src(%arg6 : memref<256x128xf32, #tpu.memory_space<vmem>>) dst(%dma_wait3A_472 : memref<256x128xf32, #tpu.memory_space<hbm>>)
    %dma_wait3A_473 = arith.constant 1792 : i32
    %dma_wait3A_474 = arith.constant 0 : i32
    %dma_wait3A_475 = tpu.memref_slice %arg4[%select_n3A, %dma_wait3A_473, %select_n3A_30, %dma_wait3A_474] : memref<4x2048x8x128xf32, #tpu.memory_space<hbm>> -> memref<1x256x1x128xf32, #tpu.memory_space<hbm>>
    %dma_wait3A_476 = tpu.memref_squeeze %dma_wait3A_475 : memref<1x256x1x128xf32, #tpu.memory_space<hbm>> -> memref<256x128xf32, #tpu.memory_space<hbm>>
    %dma_wait3A_477 = arith.constant 1792 : i32
    %dma_wait3A_478 = arith.constant 0 : i32
    %dma_wait3A_479 = tpu.memref_slice %arg4[%select_n3A, %dma_wait3A_477, %select_n3A_30, %dma_wait3A_478] : memref<4x2048x8x128xf32, #tpu.memory_space<hbm>> -> memref<1x256x1x128xf32, #tpu.memory_space<hbm>>
    %dma_wait3A_480 = tpu.memref_squeeze %dma_wait3A_479 : memref<1x256x1x128xf32, #tpu.memory_space<hbm>> -> memref<256x128xf32, #tpu.memory_space<hbm>>
    tpu.wait_dma2 semaphore(%arg11 : memref<!tpu.dma_semaphore, #tpu.memory_space<semaphore_mem>>) src(%arg7 : memref<256x128xf32, #tpu.memory_space<vmem>>) dst(%dma_wait3A_480 : memref<256x128xf32, #tpu.memory_space<hbm>>)
    return
  }
}

module attributes {stable_mosaic.version = 14 : i64} {
  func.func @_logits_kernel(%arg0: i32, %arg1: i32, %arg2: memref<1xf32, #tpu.memory_space<smem>>, %arg3: memref<1x512x1024xf32, #tpu.memory_space<vmem>>, %arg4: memref<4096x1024xf32, #tpu.memory_space<vmem>>, %arg5: memref<4096x1xf32, #tpu.memory_space<vmem>>, %arg6: memref<1x4096x512xf32, #tpu.memory_space<vmem>>, %arg7: memref<1x8x512xi32, #tpu.memory_space<vmem>>) attributes {dimension_semantics = [#tpu.dimension_semantics<arbitrary>, #tpu.dimension_semantics<arbitrary>], iteration_bounds = array<i64: 4, 4>, scalar_prefetch = 0 : i64, scratch_operands = 0 : i64, tpu.core_type = #tpu.core_type<tc>, window_params = [{transform_indices = @transform_0, window_bounds = array<i64: 1>}, {transform_indices = @transform_1, window_bounds = array<i64: 1, 512, 1024>}, {pipeline_mode = #tpu.pipeline_mode<synchronous>, transform_indices = @transform_2, window_bounds = array<i64: 4096, 1024>}, {pipeline_mode = #tpu.pipeline_mode<synchronous>, transform_indices = @transform_3, window_bounds = array<i64: 4096, 1>}, {transform_indices = @transform_4, window_bounds = array<i64: 1, 4096, 512>}, {transform_indices = @transform_5, window_bounds = array<i64: 1, 8, 512>}]} {
    %get3A = arith.constant 0 : index
    %get3A_0 = arith.constant 0 : index
    %get3A_1 = arith.constant 0 : index
    %get3A_2 = vector.load %arg3[%get3A, %get3A_0, %get3A_1] : memref<1x512x1024xf32, #tpu.memory_space<vmem>>, vector<1x512x1024xf32>
    %get3A_3 = vector.shape_cast %get3A_2 : vector<1x512x1024xf32> to vector<512x1024xf32>
    %get3A_4 = arith.constant 0 : index
    %get3A_5 = memref.load %arg2[%get3A_4] : memref<1xf32, #tpu.memory_space<smem>>
    %get3A_6 = arith.constant 0 : index
    %get3A_7 = arith.constant 0 : index
    %get3A_8 = vector.load %arg4[%get3A_6, %get3A_7] : memref<4096x1024xf32, #tpu.memory_space<vmem>>, vector<4096x1024xf32>
    %dot_general3A = arith.constant dense<0.000000e+00> : vector<4096x512xf32>
    %dot_general3A_9 = tpu.matmul %get3A_8, %get3A_3, %dot_general3A {dimension_numbers = #tpu.dot_dimension_numbers<[1], [1], [0], [0], [0, 0, 1, 0], [], []>, transpose_lhs_hint = false} : vector<4096x1024xf32>, vector<512x1024xf32>, vector<4096x512xf32> -> vector<4096x512xf32>
    %get3A_10 = arith.constant 0 : index
    %get3A_11 = arith.constant 0 : index
    %get3A_12 = vector.load %arg5[%get3A_10, %get3A_11] : memref<4096x1xf32, #tpu.memory_space<vmem>>, vector<4096x1xf32>
    %add3A = vector.broadcast %get3A_12 : vector<4096x1xf32> to vector<4096x512xf32>
    %add3A_13 = arith.addf %dot_general3A_9, %add3A : vector<4096x512xf32>
    %swap3A = arith.constant 0 : index
    %swap3A_14 = arith.constant 0 : index
    %swap3A_15 = arith.constant 0 : index
    %swap3A_16 = vector.load %arg6[%swap3A, %swap3A_14, %swap3A_15] : memref<1x4096x512xf32, #tpu.memory_space<vmem>>, vector<1x4096x512xf32>
    %swap3A_17 = vector.shape_cast %swap3A_16 : vector<1x4096x512xf32> to vector<4096x512xf32>
    %swap3A_18 = vector.shape_cast %add3A_13 : vector<4096x512xf32> to vector<1x4096x512xf32>
    tpu.vector_store %arg6[%swap3A, %swap3A_14, %swap3A_15], %swap3A_18 {strides = array<i32>} : memref<1x4096x512xf32, #tpu.memory_space<vmem>>, vector<1x4096x512xf32>,
    %slice3A = vector.extract_strided_slice %add3A_13 {offsets = [0, 0], sizes = [512, 512], strides = [1, 1]} : vector<4096x512xf32> to vector<512x512xf32>
    %argmax3A = tpu.reduce_index %slice3A {axis = 0 : i32, kind = #tpu.reduction_kind<arg_max>} : vector<512x512xf32> -> vector<512xi32>
    %reduce_max3A = arith.constant dense<0xFF800000> : vector<512xf32>
    %reduce_max3A_19 = vector.multi_reduction <maximumf>, %slice3A, %reduce_max3A [0] : vector<512x512xf32> to vector<512xf32>
    %broadcast_in_dim3A = vector.shape_cast %reduce_max3A_19 : vector<512xf32> to vector<1x512xf32>
    %eq3A = vector.broadcast %broadcast_in_dim3A : vector<1x512xf32> to vector<512x512xf32>
    %eq3A_20 = arith.cmpf oeq, %slice3A, %eq3A : vector<512x512xf32>
    %jit3A = arith.constant 0xFF800000 : f32
    %broadcast_in_dim3A_21 = vector.broadcast %jit3A : f32 to vector<512x512xf32>
    %select_n3A = arith.select %eq3A_20, %broadcast_in_dim3A_21, %slice3A : vector<512x512xi1>, vector<512x512xf32>
    %argmax3A_22 = tpu.reduce_index %select_n3A {axis = 0 : i32, kind = #tpu.reduction_kind<arg_max>} : vector<512x512xf32> -> vector<512xi32>
    %reduce_max3A_23 = arith.constant dense<0xFF800000> : vector<512xf32>
    %reduce_max3A_24 = vector.multi_reduction <maximumf>, %select_n3A, %reduce_max3A_23 [0] : vector<512x512xf32> to vector<512xf32>
    %add3A_25 = arith.constant 9.99999974E-6 : f32
    %add3A_26 = vector.broadcast %add3A_25 : f32 to vector<512xf32>
    %add3A_27 = arith.addf %reduce_max3A_24, %add3A_26 : vector<512xf32>
    %log3A = math.log %add3A_27 : vector<512xf32>
    %neg3A = arith.constant 0.000000e+00 : f32
    %neg3A_28 = vector.broadcast %neg3A : f32 to vector<512xf32>
    %neg3A_29 = arith.subf %neg3A_28, %log3A : vector<512xf32>
    %add3A_30 = arith.constant 9.99999974E-6 : f32
    %add3A_31 = vector.broadcast %add3A_30 : f32 to vector<512xf32>
    %add3A_32 = arith.addf %neg3A_29, %add3A_31 : vector<512xf32>
    %log3A_33 = math.log %add3A_32 : vector<512xf32>
    %neg3A_34 = arith.constant 0.000000e+00 : f32
    %neg3A_35 = vector.broadcast %neg3A_34 : f32 to vector<512xf32>
    %neg3A_36 = arith.subf %neg3A_35, %log3A_33 : vector<512xf32>
    %add3A_37 = arith.addf %reduce_max3A_24, %neg3A_36 : vector<512xf32>
    %div3A = vector.broadcast %get3A_5 : f32 to vector<512xf32>
    %div3A_38 = arith.divf %add3A_37, %div3A : vector<512xf32>
    %add3A_39 = arith.constant 9.99999974E-6 : f32
    %add3A_40 = vector.broadcast %add3A_39 : f32 to vector<512xf32>
    %add3A_41 = arith.addf %reduce_max3A_19, %add3A_40 : vector<512xf32>
    %log3A_42 = math.log %add3A_41 : vector<512xf32>
    %neg3A_43 = arith.constant 0.000000e+00 : f32
    %neg3A_44 = vector.broadcast %neg3A_43 : f32 to vector<512xf32>
    %neg3A_45 = arith.subf %neg3A_44, %log3A_42 : vector<512xf32>
    %add3A_46 = arith.constant 9.99999974E-6 : f32
    %add3A_47 = vector.broadcast %add3A_46 : f32 to vector<512xf32>
    %add3A_48 = arith.addf %neg3A_45, %add3A_47 : vector<512xf32>
    %log3A_49 = math.log %add3A_48 : vector<512xf32>
    %neg3A_50 = arith.constant 0.000000e+00 : f32
    %neg3A_51 = vector.broadcast %neg3A_50 : f32 to vector<512xf32>
    %neg3A_52 = arith.subf %neg3A_51, %log3A_49 : vector<512xf32>
    %add3A_53 = arith.addf %reduce_max3A_19, %neg3A_52 : vector<512xf32>
    %div3A_54 = vector.broadcast %get3A_5 : f32 to vector<512xf32>
    %div3A_55 = arith.divf %add3A_53, %div3A_54 : vector<512xf32>
    %sub3A = arith.subf %div3A_38, %div3A_55 : vector<512xf32>
    %exp3A = math.exp %sub3A : vector<512xf32>
    %ge3A = arith.constant 1.000000e+00 : f32
    %ge3A_56 = vector.broadcast %ge3A : f32 to vector<512xf32>
    %ge3A_57 = arith.cmpf oge, %exp3A, %ge3A_56 : vector<512xf32>
    %min3A = arith.minsi %argmax3A, %argmax3A_22 : vector<512xi32>
    %select_n3A_58 = arith.select %ge3A_57, %min3A, %argmax3A : vector<512xi1>, vector<512xi32>
    %add3A_59 = arith.constant 0 : i32
    %add3A_60 = vector.broadcast %add3A_59 : i32 to vector<512xi32>
    %add3A_61 = arith.addi %select_n3A_58, %add3A_60 : vector<512xi32>
    %slice3A_62 = vector.extract_strided_slice %add3A_13 {offsets = [512, 0], sizes = [512, 512], strides = [1, 1]} : vector<4096x512xf32> to vector<512x512xf32>
    %argmax3A_63 = tpu.reduce_index %slice3A_62 {axis = 0 : i32, kind = #tpu.reduction_kind<arg_max>} : vector<512x512xf32> -> vector<512xi32>
    %reduce_max3A_64 = arith.constant dense<0xFF800000> : vector<512xf32>
    %reduce_max3A_65 = vector.multi_reduction <maximumf>, %slice3A_62, %reduce_max3A_64 [0] : vector<512x512xf32> to vector<512xf32>
    %broadcast_in_dim3A_66 = vector.shape_cast %reduce_max3A_65 : vector<512xf32> to vector<1x512xf32>
    %eq3A_67 = vector.broadcast %broadcast_in_dim3A_66 : vector<1x512xf32> to vector<512x512xf32>
    %eq3A_68 = arith.cmpf oeq, %slice3A_62, %eq3A_67 : vector<512x512xf32>
    %jit3A_69 = arith.constant 0xFF800000 : f32
    %broadcast_in_dim3A_70 = vector.broadcast %jit3A_69 : f32 to vector<512x512xf32>
    %select_n3A_71 = arith.select %eq3A_68, %broadcast_in_dim3A_70, %slice3A_62 : vector<512x512xi1>, vector<512x512xf32>
    %argmax3A_72 = tpu.reduce_index %select_n3A_71 {axis = 0 : i32, kind = #tpu.reduction_kind<arg_max>} : vector<512x512xf32> -> vector<512xi32>
    %reduce_max3A_73 = arith.constant dense<0xFF800000> : vector<512xf32>
    %reduce_max3A_74 = vector.multi_reduction <maximumf>, %select_n3A_71, %reduce_max3A_73 [0] : vector<512x512xf32> to vector<512xf32>
    %add3A_75 = arith.constant 9.99999974E-6 : f32
    %add3A_76 = vector.broadcast %add3A_75 : f32 to vector<512xf32>
    %add3A_77 = arith.addf %reduce_max3A_74, %add3A_76 : vector<512xf32>
    %log3A_78 = math.log %add3A_77 : vector<512xf32>
    %neg3A_79 = arith.constant 0.000000e+00 : f32
    %neg3A_80 = vector.broadcast %neg3A_79 : f32 to vector<512xf32>
    %neg3A_81 = arith.subf %neg3A_80, %log3A_78 : vector<512xf32>
    %add3A_82 = arith.constant 9.99999974E-6 : f32
    %add3A_83 = vector.broadcast %add3A_82 : f32 to vector<512xf32>
    %add3A_84 = arith.addf %neg3A_81, %add3A_83 : vector<512xf32>
    %log3A_85 = math.log %add3A_84 : vector<512xf32>
    %neg3A_86 = arith.constant 0.000000e+00 : f32
    %neg3A_87 = vector.broadcast %neg3A_86 : f32 to vector<512xf32>
    %neg3A_88 = arith.subf %neg3A_87, %log3A_85 : vector<512xf32>
    %add3A_89 = arith.addf %reduce_max3A_74, %neg3A_88 : vector<512xf32>
    %div3A_90 = vector.broadcast %get3A_5 : f32 to vector<512xf32>
    %div3A_91 = arith.divf %add3A_89, %div3A_90 : vector<512xf32>
    %add3A_92 = arith.constant 9.99999974E-6 : f32
    %add3A_93 = vector.broadcast %add3A_92 : f32 to vector<512xf32>
    %add3A_94 = arith.addf %reduce_max3A_65, %add3A_93 : vector<512xf32>
    %log3A_95 = math.log %add3A_94 : vector<512xf32>
    %neg3A_96 = arith.constant 0.000000e+00 : f32
    %neg3A_97 = vector.broadcast %neg3A_96 : f32 to vector<512xf32>
    %neg3A_98 = arith.subf %neg3A_97, %log3A_95 : vector<512xf32>
    %add3A_99 = arith.constant 9.99999974E-6 : f32
    %add3A_100 = vector.broadcast %add3A_99 : f32 to vector<512xf32>
    %add3A_101 = arith.addf %neg3A_98, %add3A_100 : vector<512xf32>
    %log3A_102 = math.log %add3A_101 : vector<512xf32>
    %neg3A_103 = arith.constant 0.000000e+00 : f32
    %neg3A_104 = vector.broadcast %neg3A_103 : f32 to vector<512xf32>
    %neg3A_105 = arith.subf %neg3A_104, %log3A_102 : vector<512xf32>
    %add3A_106 = arith.addf %reduce_max3A_65, %neg3A_105 : vector<512xf32>
    %div3A_107 = vector.broadcast %get3A_5 : f32 to vector<512xf32>
    %div3A_108 = arith.divf %add3A_106, %div3A_107 : vector<512xf32>
    %sub3A_109 = arith.subf %div3A_91, %div3A_108 : vector<512xf32>
    %exp3A_110 = math.exp %sub3A_109 : vector<512xf32>
    %ge3A_111 = arith.constant 1.000000e+00 : f32
    %ge3A_112 = vector.broadcast %ge3A_111 : f32 to vector<512xf32>
    %ge3A_113 = arith.cmpf oge, %exp3A_110, %ge3A_112 : vector<512xf32>
    %min3A_114 = arith.minsi %argmax3A_63, %argmax3A_72 : vector<512xi32>
    %select_n3A_115 = arith.select %ge3A_113, %min3A_114, %argmax3A_63 : vector<512xi1>, vector<512xi32>
    %add3A_116 = arith.constant 512 : i32
    %add3A_117 = vector.broadcast %add3A_116 : i32 to vector<512xi32>
    %add3A_118 = arith.addi %select_n3A_115, %add3A_117 : vector<512xi32>
    %slice3A_119 = vector.extract_strided_slice %add3A_13 {offsets = [1024, 0], sizes = [512, 512], strides = [1, 1]} : vector<4096x512xf32> to vector<512x512xf32>
    %argmax3A_120 = tpu.reduce_index %slice3A_119 {axis = 0 : i32, kind = #tpu.reduction_kind<arg_max>} : vector<512x512xf32> -> vector<512xi32>
    %reduce_max3A_121 = arith.constant dense<0xFF800000> : vector<512xf32>
    %reduce_max3A_122 = vector.multi_reduction <maximumf>, %slice3A_119, %reduce_max3A_121 [0] : vector<512x512xf32> to vector<512xf32>
    %broadcast_in_dim3A_123 = vector.shape_cast %reduce_max3A_122 : vector<512xf32> to vector<1x512xf32>
    %eq3A_124 = vector.broadcast %broadcast_in_dim3A_123 : vector<1x512xf32> to vector<512x512xf32>
    %eq3A_125 = arith.cmpf oeq, %slice3A_119, %eq3A_124 : vector<512x512xf32>
    %jit3A_126 = arith.constant 0xFF800000 : f32
    %broadcast_in_dim3A_127 = vector.broadcast %jit3A_126 : f32 to vector<512x512xf32>
    %select_n3A_128 = arith.select %eq3A_125, %broadcast_in_dim3A_127, %slice3A_119 : vector<512x512xi1>, vector<512x512xf32>
    %argmax3A_129 = tpu.reduce_index %select_n3A_128 {axis = 0 : i32, kind = #tpu.reduction_kind<arg_max>} : vector<512x512xf32> -> vector<512xi32>
    %reduce_max3A_130 = arith.constant dense<0xFF800000> : vector<512xf32>
    %reduce_max3A_131 = vector.multi_reduction <maximumf>, %select_n3A_128, %reduce_max3A_130 [0] : vector<512x512xf32> to vector<512xf32>
    %add3A_132 = arith.constant 9.99999974E-6 : f32
    %add3A_133 = vector.broadcast %add3A_132 : f32 to vector<512xf32>
    %add3A_134 = arith.addf %reduce_max3A_131, %add3A_133 : vector<512xf32>
    %log3A_135 = math.log %add3A_134 : vector<512xf32>
    %neg3A_136 = arith.constant 0.000000e+00 : f32
    %neg3A_137 = vector.broadcast %neg3A_136 : f32 to vector<512xf32>
    %neg3A_138 = arith.subf %neg3A_137, %log3A_135 : vector<512xf32>
    %add3A_139 = arith.constant 9.99999974E-6 : f32
    %add3A_140 = vector.broadcast %add3A_139 : f32 to vector<512xf32>
    %add3A_141 = arith.addf %neg3A_138, %add3A_140 : vector<512xf32>
    %log3A_142 = math.log %add3A_141 : vector<512xf32>
    %neg3A_143 = arith.constant 0.000000e+00 : f32
    %neg3A_144 = vector.broadcast %neg3A_143 : f32 to vector<512xf32>
    %neg3A_145 = arith.subf %neg3A_144, %log3A_142 : vector<512xf32>
    %add3A_146 = arith.addf %reduce_max3A_131, %neg3A_145 : vector<512xf32>
    %div3A_147 = vector.broadcast %get3A_5 : f32 to vector<512xf32>
    %div3A_148 = arith.divf %add3A_146, %div3A_147 : vector<512xf32>
    %add3A_149 = arith.constant 9.99999974E-6 : f32
    %add3A_150 = vector.broadcast %add3A_149 : f32 to vector<512xf32>
    %add3A_151 = arith.addf %reduce_max3A_122, %add3A_150 : vector<512xf32>
    %log3A_152 = math.log %add3A_151 : vector<512xf32>
    %neg3A_153 = arith.constant 0.000000e+00 : f32
    %neg3A_154 = vector.broadcast %neg3A_153 : f32 to vector<512xf32>
    %neg3A_155 = arith.subf %neg3A_154, %log3A_152 : vector<512xf32>
    %add3A_156 = arith.constant 9.99999974E-6 : f32
    %add3A_157 = vector.broadcast %add3A_156 : f32 to vector<512xf32>
    %add3A_158 = arith.addf %neg3A_155, %add3A_157 : vector<512xf32>
    %log3A_159 = math.log %add3A_158 : vector<512xf32>
    %neg3A_160 = arith.constant 0.000000e+00 : f32
    %neg3A_161 = vector.broadcast %neg3A_160 : f32 to vector<512xf32>
    %neg3A_162 = arith.subf %neg3A_161, %log3A_159 : vector<512xf32>
    %add3A_163 = arith.addf %reduce_max3A_122, %neg3A_162 : vector<512xf32>
    %div3A_164 = vector.broadcast %get3A_5 : f32 to vector<512xf32>
    %div3A_165 = arith.divf %add3A_163, %div3A_164 : vector<512xf32>
    %sub3A_166 = arith.subf %div3A_148, %div3A_165 : vector<512xf32>
    %exp3A_167 = math.exp %sub3A_166 : vector<512xf32>
    %ge3A_168 = arith.constant 1.000000e+00 : f32
    %ge3A_169 = vector.broadcast %ge3A_168 : f32 to vector<512xf32>
    %ge3A_170 = arith.cmpf oge, %exp3A_167, %ge3A_169 : vector<512xf32>
    %min3A_171 = arith.minsi %argmax3A_120, %argmax3A_129 : vector<512xi32>
    %select_n3A_172 = arith.select %ge3A_170, %min3A_171, %argmax3A_120 : vector<512xi1>, vector<512xi32>
    %add3A_173 = arith.constant 1024 : i32
    %add3A_174 = vector.broadcast %add3A_173 : i32 to vector<512xi32>
    %add3A_175 = arith.addi %select_n3A_172, %add3A_174 : vector<512xi32>
    %slice3A_176 = vector.extract_strided_slice %add3A_13 {offsets = [1536, 0], sizes = [512, 512], strides = [1, 1]} : vector<4096x512xf32> to vector<512x512xf32>
    %argmax3A_177 = tpu.reduce_index %slice3A_176 {axis = 0 : i32, kind = #tpu.reduction_kind<arg_max>} : vector<512x512xf32> -> vector<512xi32>
    %reduce_max3A_178 = arith.constant dense<0xFF800000> : vector<512xf32>
    %reduce_max3A_179 = vector.multi_reduction <maximumf>, %slice3A_176, %reduce_max3A_178 [0] : vector<512x512xf32> to vector<512xf32>
    %broadcast_in_dim3A_180 = vector.shape_cast %reduce_max3A_179 : vector<512xf32> to vector<1x512xf32>
    %eq3A_181 = vector.broadcast %broadcast_in_dim3A_180 : vector<1x512xf32> to vector<512x512xf32>
    %eq3A_182 = arith.cmpf oeq, %slice3A_176, %eq3A_181 : vector<512x512xf32>
    %jit3A_183 = arith.constant 0xFF800000 : f32
    %broadcast_in_dim3A_184 = vector.broadcast %jit3A_183 : f32 to vector<512x512xf32>
    %select_n3A_185 = arith.select %eq3A_182, %broadcast_in_dim3A_184, %slice3A_176 : vector<512x512xi1>, vector<512x512xf32>
    %argmax3A_186 = tpu.reduce_index %select_n3A_185 {axis = 0 : i32, kind = #tpu.reduction_kind<arg_max>} : vector<512x512xf32> -> vector<512xi32>
    %reduce_max3A_187 = arith.constant dense<0xFF800000> : vector<512xf32>
    %reduce_max3A_188 = vector.multi_reduction <maximumf>, %select_n3A_185, %reduce_max3A_187 [0] : vector<512x512xf32> to vector<512xf32>
    %add3A_189 = arith.constant 9.99999974E-6 : f32
    %add3A_190 = vector.broadcast %add3A_189 : f32 to vector<512xf32>
    %add3A_191 = arith.addf %reduce_max3A_188, %add3A_190 : vector<512xf32>
    %log3A_192 = math.log %add3A_191 : vector<512xf32>
    %neg3A_193 = arith.constant 0.000000e+00 : f32
    %neg3A_194 = vector.broadcast %neg3A_193 : f32 to vector<512xf32>
    %neg3A_195 = arith.subf %neg3A_194, %log3A_192 : vector<512xf32>
    %add3A_196 = arith.constant 9.99999974E-6 : f32
    %add3A_197 = vector.broadcast %add3A_196 : f32 to vector<512xf32>
    %add3A_198 = arith.addf %neg3A_195, %add3A_197 : vector<512xf32>
    %log3A_199 = math.log %add3A_198 : vector<512xf32>
    %neg3A_200 = arith.constant 0.000000e+00 : f32
    %neg3A_201 = vector.broadcast %neg3A_200 : f32 to vector<512xf32>
    %neg3A_202 = arith.subf %neg3A_201, %log3A_199 : vector<512xf32>
    %add3A_203 = arith.addf %reduce_max3A_188, %neg3A_202 : vector<512xf32>
    %div3A_204 = vector.broadcast %get3A_5 : f32 to vector<512xf32>
    %div3A_205 = arith.divf %add3A_203, %div3A_204 : vector<512xf32>
    %add3A_206 = arith.constant 9.99999974E-6 : f32
    %add3A_207 = vector.broadcast %add3A_206 : f32 to vector<512xf32>
    %add3A_208 = arith.addf %reduce_max3A_179, %add3A_207 : vector<512xf32>
    %log3A_209 = math.log %add3A_208 : vector<512xf32>
    %neg3A_210 = arith.constant 0.000000e+00 : f32
    %neg3A_211 = vector.broadcast %neg3A_210 : f32 to vector<512xf32>
    %neg3A_212 = arith.subf %neg3A_211, %log3A_209 : vector<512xf32>
    %add3A_213 = arith.constant 9.99999974E-6 : f32
    %add3A_214 = vector.broadcast %add3A_213 : f32 to vector<512xf32>
    %add3A_215 = arith.addf %neg3A_212, %add3A_214 : vector<512xf32>
    %log3A_216 = math.log %add3A_215 : vector<512xf32>
    %neg3A_217 = arith.constant 0.000000e+00 : f32
    %neg3A_218 = vector.broadcast %neg3A_217 : f32 to vector<512xf32>
    %neg3A_219 = arith.subf %neg3A_218, %log3A_216 : vector<512xf32>
    %add3A_220 = arith.addf %reduce_max3A_179, %neg3A_219 : vector<512xf32>
    %div3A_221 = vector.broadcast %get3A_5 : f32 to vector<512xf32>
    %div3A_222 = arith.divf %add3A_220, %div3A_221 : vector<512xf32>
    %sub3A_223 = arith.subf %div3A_205, %div3A_222 : vector<512xf32>
    %exp3A_224 = math.exp %sub3A_223 : vector<512xf32>
    %ge3A_225 = arith.constant 1.000000e+00 : f32
    %ge3A_226 = vector.broadcast %ge3A_225 : f32 to vector<512xf32>
    %ge3A_227 = arith.cmpf oge, %exp3A_224, %ge3A_226 : vector<512xf32>
    %min3A_228 = arith.minsi %argmax3A_177, %argmax3A_186 : vector<512xi32>
    %select_n3A_229 = arith.select %ge3A_227, %min3A_228, %argmax3A_177 : vector<512xi1>, vector<512xi32>
    %add3A_230 = arith.constant 1536 : i32
    %add3A_231 = vector.broadcast %add3A_230 : i32 to vector<512xi32>
    %add3A_232 = arith.addi %select_n3A_229, %add3A_231 : vector<512xi32>
    %slice3A_233 = vector.extract_strided_slice %add3A_13 {offsets = [2048, 0], sizes = [512, 512], strides = [1, 1]} : vector<4096x512xf32> to vector<512x512xf32>
    %argmax3A_234 = tpu.reduce_index %slice3A_233 {axis = 0 : i32, kind = #tpu.reduction_kind<arg_max>} : vector<512x512xf32> -> vector<512xi32>
    %reduce_max3A_235 = arith.constant dense<0xFF800000> : vector<512xf32>
    %reduce_max3A_236 = vector.multi_reduction <maximumf>, %slice3A_233, %reduce_max3A_235 [0] : vector<512x512xf32> to vector<512xf32>
    %broadcast_in_dim3A_237 = vector.shape_cast %reduce_max3A_236 : vector<512xf32> to vector<1x512xf32>
    %eq3A_238 = vector.broadcast %broadcast_in_dim3A_237 : vector<1x512xf32> to vector<512x512xf32>
    %eq3A_239 = arith.cmpf oeq, %slice3A_233, %eq3A_238 : vector<512x512xf32>
    %jit3A_240 = arith.constant 0xFF800000 : f32
    %broadcast_in_dim3A_241 = vector.broadcast %jit3A_240 : f32 to vector<512x512xf32>
    %select_n3A_242 = arith.select %eq3A_239, %broadcast_in_dim3A_241, %slice3A_233 : vector<512x512xi1>, vector<512x512xf32>
    %argmax3A_243 = tpu.reduce_index %select_n3A_242 {axis = 0 : i32, kind = #tpu.reduction_kind<arg_max>} : vector<512x512xf32> -> vector<512xi32>
    %reduce_max3A_244 = arith.constant dense<0xFF800000> : vector<512xf32>
    %reduce_max3A_245 = vector.multi_reduction <maximumf>, %select_n3A_242, %reduce_max3A_244 [0] : vector<512x512xf32> to vector<512xf32>
    %add3A_246 = arith.constant 9.99999974E-6 : f32
    %add3A_247 = vector.broadcast %add3A_246 : f32 to vector<512xf32>
    %add3A_248 = arith.addf %reduce_max3A_245, %add3A_247 : vector<512xf32>
    %log3A_249 = math.log %add3A_248 : vector<512xf32>
    %neg3A_250 = arith.constant 0.000000e+00 : f32
    %neg3A_251 = vector.broadcast %neg3A_250 : f32 to vector<512xf32>
    %neg3A_252 = arith.subf %neg3A_251, %log3A_249 : vector<512xf32>
    %add3A_253 = arith.constant 9.99999974E-6 : f32
    %add3A_254 = vector.broadcast %add3A_253 : f32 to vector<512xf32>
    %add3A_255 = arith.addf %neg3A_252, %add3A_254 : vector<512xf32>
    %log3A_256 = math.log %add3A_255 : vector<512xf32>
    %neg3A_257 = arith.constant 0.000000e+00 : f32
    %neg3A_258 = vector.broadcast %neg3A_257 : f32 to vector<512xf32>
    %neg3A_259 = arith.subf %neg3A_258, %log3A_256 : vector<512xf32>
    %add3A_260 = arith.addf %reduce_max3A_245, %neg3A_259 : vector<512xf32>
    %div3A_261 = vector.broadcast %get3A_5 : f32 to vector<512xf32>
    %div3A_262 = arith.divf %add3A_260, %div3A_261 : vector<512xf32>
    %add3A_263 = arith.constant 9.99999974E-6 : f32
    %add3A_264 = vector.broadcast %add3A_263 : f32 to vector<512xf32>
    %add3A_265 = arith.addf %reduce_max3A_236, %add3A_264 : vector<512xf32>
    %log3A_266 = math.log %add3A_265 : vector<512xf32>
    %neg3A_267 = arith.constant 0.000000e+00 : f32
    %neg3A_268 = vector.broadcast %neg3A_267 : f32 to vector<512xf32>
    %neg3A_269 = arith.subf %neg3A_268, %log3A_266 : vector<512xf32>
    %add3A_270 = arith.constant 9.99999974E-6 : f32
    %add3A_271 = vector.broadcast %add3A_270 : f32 to vector<512xf32>
    %add3A_272 = arith.addf %neg3A_269, %add3A_271 : vector<512xf32>
    %log3A_273 = math.log %add3A_272 : vector<512xf32>
    %neg3A_274 = arith.constant 0.000000e+00 : f32
    %neg3A_275 = vector.broadcast %neg3A_274 : f32 to vector<512xf32>
    %neg3A_276 = arith.subf %neg3A_275, %log3A_273 : vector<512xf32>
    %add3A_277 = arith.addf %reduce_max3A_236, %neg3A_276 : vector<512xf32>
    %div3A_278 = vector.broadcast %get3A_5 : f32 to vector<512xf32>
    %div3A_279 = arith.divf %add3A_277, %div3A_278 : vector<512xf32>
    %sub3A_280 = arith.subf %div3A_262, %div3A_279 : vector<512xf32>
    %exp3A_281 = math.exp %sub3A_280 : vector<512xf32>
    %ge3A_282 = arith.constant 1.000000e+00 : f32
    %ge3A_283 = vector.broadcast %ge3A_282 : f32 to vector<512xf32>
    %ge3A_284 = arith.cmpf oge, %exp3A_281, %ge3A_283 : vector<512xf32>
    %min3A_285 = arith.minsi %argmax3A_234, %argmax3A_243 : vector<512xi32>
    %select_n3A_286 = arith.select %ge3A_284, %min3A_285, %argmax3A_234 : vector<512xi1>, vector<512xi32>
    %add3A_287 = arith.constant 2048 : i32
    %add3A_288 = vector.broadcast %add3A_287 : i32 to vector<512xi32>
    %add3A_289 = arith.addi %select_n3A_286, %add3A_288 : vector<512xi32>
    %slice3A_290 = vector.extract_strided_slice %add3A_13 {offsets = [2560, 0], sizes = [512, 512], strides = [1, 1]} : vector<4096x512xf32> to vector<512x512xf32>
    %argmax3A_291 = tpu.reduce_index %slice3A_290 {axis = 0 : i32, kind = #tpu.reduction_kind<arg_max>} : vector<512x512xf32> -> vector<512xi32>
    %reduce_max3A_292 = arith.constant dense<0xFF800000> : vector<512xf32>
    %reduce_max3A_293 = vector.multi_reduction <maximumf>, %slice3A_290, %reduce_max3A_292 [0] : vector<512x512xf32> to vector<512xf32>
    %broadcast_in_dim3A_294 = vector.shape_cast %reduce_max3A_293 : vector<512xf32> to vector<1x512xf32>
    %eq3A_295 = vector.broadcast %broadcast_in_dim3A_294 : vector<1x512xf32> to vector<512x512xf32>
    %eq3A_296 = arith.cmpf oeq, %slice3A_290, %eq3A_295 : vector<512x512xf32>
    %jit3A_297 = arith.constant 0xFF800000 : f32
    %broadcast_in_dim3A_298 = vector.broadcast %jit3A_297 : f32 to vector<512x512xf32>
    %select_n3A_299 = arith.select %eq3A_296, %broadcast_in_dim3A_298, %slice3A_290 : vector<512x512xi1>, vector<512x512xf32>
    %argmax3A_300 = tpu.reduce_index %select_n3A_299 {axis = 0 : i32, kind = #tpu.reduction_kind<arg_max>} : vector<512x512xf32> -> vector<512xi32>
    %reduce_max3A_301 = arith.constant dense<0xFF800000> : vector<512xf32>
    %reduce_max3A_302 = vector.multi_reduction <maximumf>, %select_n3A_299, %reduce_max3A_301 [0] : vector<512x512xf32> to vector<512xf32>
    %add3A_303 = arith.constant 9.99999974E-6 : f32
    %add3A_304 = vector.broadcast %add3A_303 : f32 to vector<512xf32>
    %add3A_305 = arith.addf %reduce_max3A_302, %add3A_304 : vector<512xf32>
    %log3A_306 = math.log %add3A_305 : vector<512xf32>
    %neg3A_307 = arith.constant 0.000000e+00 : f32
    %neg3A_308 = vector.broadcast %neg3A_307 : f32 to vector<512xf32>
    %neg3A_309 = arith.subf %neg3A_308, %log3A_306 : vector<512xf32>
    %add3A_310 = arith.constant 9.99999974E-6 : f32
    %add3A_311 = vector.broadcast %add3A_310 : f32 to vector<512xf32>
    %add3A_312 = arith.addf %neg3A_309, %add3A_311 : vector<512xf32>
    %log3A_313 = math.log %add3A_312 : vector<512xf32>
    %neg3A_314 = arith.constant 0.000000e+00 : f32
    %neg3A_315 = vector.broadcast %neg3A_314 : f32 to vector<512xf32>
    %neg3A_316 = arith.subf %neg3A_315, %log3A_313 : vector<512xf32>
    %add3A_317 = arith.addf %reduce_max3A_302, %neg3A_316 : vector<512xf32>
    %div3A_318 = vector.broadcast %get3A_5 : f32 to vector<512xf32>
    %div3A_319 = arith.divf %add3A_317, %div3A_318 : vector<512xf32>
    %add3A_320 = arith.constant 9.99999974E-6 : f32
    %add3A_321 = vector.broadcast %add3A_320 : f32 to vector<512xf32>
    %add3A_322 = arith.addf %reduce_max3A_293, %add3A_321 : vector<512xf32>
    %log3A_323 = math.log %add3A_322 : vector<512xf32>
    %neg3A_324 = arith.constant 0.000000e+00 : f32
    %neg3A_325 = vector.broadcast %neg3A_324 : f32 to vector<512xf32>
    %neg3A_326 = arith.subf %neg3A_325, %log3A_323 : vector<512xf32>
    %add3A_327 = arith.constant 9.99999974E-6 : f32
    %add3A_328 = vector.broadcast %add3A_327 : f32 to vector<512xf32>
    %add3A_329 = arith.addf %neg3A_326, %add3A_328 : vector<512xf32>
    %log3A_330 = math.log %add3A_329 : vector<512xf32>
    %neg3A_331 = arith.constant 0.000000e+00 : f32
    %neg3A_332 = vector.broadcast %neg3A_331 : f32 to vector<512xf32>
    %neg3A_333 = arith.subf %neg3A_332, %log3A_330 : vector<512xf32>
    %add3A_334 = arith.addf %reduce_max3A_293, %neg3A_333 : vector<512xf32>
    %div3A_335 = vector.broadcast %get3A_5 : f32 to vector<512xf32>
    %div3A_336 = arith.divf %add3A_334, %div3A_335 : vector<512xf32>
    %sub3A_337 = arith.subf %div3A_319, %div3A_336 : vector<512xf32>
    %exp3A_338 = math.exp %sub3A_337 : vector<512xf32>
    %ge3A_339 = arith.constant 1.000000e+00 : f32
    %ge3A_340 = vector.broadcast %ge3A_339 : f32 to vector<512xf32>
    %ge3A_341 = arith.cmpf oge, %exp3A_338, %ge3A_340 : vector<512xf32>
    %min3A_342 = arith.minsi %argmax3A_291, %argmax3A_300 : vector<512xi32>
    %select_n3A_343 = arith.select %ge3A_341, %min3A_342, %argmax3A_291 : vector<512xi1>, vector<512xi32>
    %add3A_344 = arith.constant 2560 : i32
    %add3A_345 = vector.broadcast %add3A_344 : i32 to vector<512xi32>
    %add3A_346 = arith.addi %select_n3A_343, %add3A_345 : vector<512xi32>
    %slice3A_347 = vector.extract_strided_slice %add3A_13 {offsets = [3072, 0], sizes = [512, 512], strides = [1, 1]} : vector<4096x512xf32> to vector<512x512xf32>
    %argmax3A_348 = tpu.reduce_index %slice3A_347 {axis = 0 : i32, kind = #tpu.reduction_kind<arg_max>} : vector<512x512xf32> -> vector<512xi32>
    %reduce_max3A_349 = arith.constant dense<0xFF800000> : vector<512xf32>
    %reduce_max3A_350 = vector.multi_reduction <maximumf>, %slice3A_347, %reduce_max3A_349 [0] : vector<512x512xf32> to vector<512xf32>
    %broadcast_in_dim3A_351 = vector.shape_cast %reduce_max3A_350 : vector<512xf32> to vector<1x512xf32>
    %eq3A_352 = vector.broadcast %broadcast_in_dim3A_351 : vector<1x512xf32> to vector<512x512xf32>
    %eq3A_353 = arith.cmpf oeq, %slice3A_347, %eq3A_352 : vector<512x512xf32>
    %jit3A_354 = arith.constant 0xFF800000 : f32
    %broadcast_in_dim3A_355 = vector.broadcast %jit3A_354 : f32 to vector<512x512xf32>
    %select_n3A_356 = arith.select %eq3A_353, %broadcast_in_dim3A_355, %slice3A_347 : vector<512x512xi1>, vector<512x512xf32>
    %argmax3A_357 = tpu.reduce_index %select_n3A_356 {axis = 0 : i32, kind = #tpu.reduction_kind<arg_max>} : vector<512x512xf32> -> vector<512xi32>
    %reduce_max3A_358 = arith.constant dense<0xFF800000> : vector<512xf32>
    %reduce_max3A_359 = vector.multi_reduction <maximumf>, %select_n3A_356, %reduce_max3A_358 [0] : vector<512x512xf32> to vector<512xf32>
    %add3A_360 = arith.constant 9.99999974E-6 : f32
    %add3A_361 = vector.broadcast %add3A_360 : f32 to vector<512xf32>
    %add3A_362 = arith.addf %reduce_max3A_359, %add3A_361 : vector<512xf32>
    %log3A_363 = math.log %add3A_362 : vector<512xf32>
    %neg3A_364 = arith.constant 0.000000e+00 : f32
    %neg3A_365 = vector.broadcast %neg3A_364 : f32 to vector<512xf32>
    %neg3A_366 = arith.subf %neg3A_365, %log3A_363 : vector<512xf32>
    %add3A_367 = arith.constant 9.99999974E-6 : f32
    %add3A_368 = vector.broadcast %add3A_367 : f32 to vector<512xf32>
    %add3A_369 = arith.addf %neg3A_366, %add3A_368 : vector<512xf32>
    %log3A_370 = math.log %add3A_369 : vector<512xf32>
    %neg3A_371 = arith.constant 0.000000e+00 : f32
    %neg3A_372 = vector.broadcast %neg3A_371 : f32 to vector<512xf32>
    %neg3A_373 = arith.subf %neg3A_372, %log3A_370 : vector<512xf32>
    %add3A_374 = arith.addf %reduce_max3A_359, %neg3A_373 : vector<512xf32>
    %div3A_375 = vector.broadcast %get3A_5 : f32 to vector<512xf32>
    %div3A_376 = arith.divf %add3A_374, %div3A_375 : vector<512xf32>
    %add3A_377 = arith.constant 9.99999974E-6 : f32
    %add3A_378 = vector.broadcast %add3A_377 : f32 to vector<512xf32>
    %add3A_379 = arith.addf %reduce_max3A_350, %add3A_378 : vector<512xf32>
    %log3A_380 = math.log %add3A_379 : vector<512xf32>
    %neg3A_381 = arith.constant 0.000000e+00 : f32
    %neg3A_382 = vector.broadcast %neg3A_381 : f32 to vector<512xf32>
    %neg3A_383 = arith.subf %neg3A_382, %log3A_380 : vector<512xf32>
    %add3A_384 = arith.constant 9.99999974E-6 : f32
    %add3A_385 = vector.broadcast %add3A_384 : f32 to vector<512xf32>
    %add3A_386 = arith.addf %neg3A_383, %add3A_385 : vector<512xf32>
    %log3A_387 = math.log %add3A_386 : vector<512xf32>
    %neg3A_388 = arith.constant 0.000000e+00 : f32
    %neg3A_389 = vector.broadcast %neg3A_388 : f32 to vector<512xf32>
    %neg3A_390 = arith.subf %neg3A_389, %log3A_387 : vector<512xf32>
    %add3A_391 = arith.addf %reduce_max3A_350, %neg3A_390 : vector<512xf32>
    %div3A_392 = vector.broadcast %get3A_5 : f32 to vector<512xf32>
    %div3A_393 = arith.divf %add3A_391, %div3A_392 : vector<512xf32>
    %sub3A_394 = arith.subf %div3A_376, %div3A_393 : vector<512xf32>
    %exp3A_395 = math.exp %sub3A_394 : vector<512xf32>
    %ge3A_396 = arith.constant 1.000000e+00 : f32
    %ge3A_397 = vector.broadcast %ge3A_396 : f32 to vector<512xf32>
    %ge3A_398 = arith.cmpf oge, %exp3A_395, %ge3A_397 : vector<512xf32>
    %min3A_399 = arith.minsi %argmax3A_348, %argmax3A_357 : vector<512xi32>
    %select_n3A_400 = arith.select %ge3A_398, %min3A_399, %argmax3A_348 : vector<512xi1>, vector<512xi32>
    %add3A_401 = arith.constant 3072 : i32
    %add3A_402 = vector.broadcast %add3A_401 : i32 to vector<512xi32>
    %add3A_403 = arith.addi %select_n3A_400, %add3A_402 : vector<512xi32>
    %slice3A_404 = vector.extract_strided_slice %add3A_13 {offsets = [3584, 0], sizes = [512, 512], strides = [1, 1]} : vector<4096x512xf32> to vector<512x512xf32>
    %argmax3A_405 = tpu.reduce_index %slice3A_404 {axis = 0 : i32, kind = #tpu.reduction_kind<arg_max>} : vector<512x512xf32> -> vector<512xi32>
    %reduce_max3A_406 = arith.constant dense<0xFF800000> : vector<512xf32>
    %reduce_max3A_407 = vector.multi_reduction <maximumf>, %slice3A_404, %reduce_max3A_406 [0] : vector<512x512xf32> to vector<512xf32>
    %broadcast_in_dim3A_408 = vector.shape_cast %reduce_max3A_407 : vector<512xf32> to vector<1x512xf32>
    %eq3A_409 = vector.broadcast %broadcast_in_dim3A_408 : vector<1x512xf32> to vector<512x512xf32>
    %eq3A_410 = arith.cmpf oeq, %slice3A_404, %eq3A_409 : vector<512x512xf32>
    %jit3A_411 = arith.constant 0xFF800000 : f32
    %broadcast_in_dim3A_412 = vector.broadcast %jit3A_411 : f32 to vector<512x512xf32>
    %select_n3A_413 = arith.select %eq3A_410, %broadcast_in_dim3A_412, %slice3A_404 : vector<512x512xi1>, vector<512x512xf32>
    %argmax3A_414 = tpu.reduce_index %select_n3A_413 {axis = 0 : i32, kind = #tpu.reduction_kind<arg_max>} : vector<512x512xf32> -> vector<512xi32>
    %reduce_max3A_415 = arith.constant dense<0xFF800000> : vector<512xf32>
    %reduce_max3A_416 = vector.multi_reduction <maximumf>, %select_n3A_413, %reduce_max3A_415 [0] : vector<512x512xf32> to vector<512xf32>
    %add3A_417 = arith.constant 9.99999974E-6 : f32
    %add3A_418 = vector.broadcast %add3A_417 : f32 to vector<512xf32>
    %add3A_419 = arith.addf %reduce_max3A_416, %add3A_418 : vector<512xf32>
    %log3A_420 = math.log %add3A_419 : vector<512xf32>
    %neg3A_421 = arith.constant 0.000000e+00 : f32
    %neg3A_422 = vector.broadcast %neg3A_421 : f32 to vector<512xf32>
    %neg3A_423 = arith.subf %neg3A_422, %log3A_420 : vector<512xf32>
    %add3A_424 = arith.constant 9.99999974E-6 : f32
    %add3A_425 = vector.broadcast %add3A_424 : f32 to vector<512xf32>
    %add3A_426 = arith.addf %neg3A_423, %add3A_425 : vector<512xf32>
    %log3A_427 = math.log %add3A_426 : vector<512xf32>
    %neg3A_428 = arith.constant 0.000000e+00 : f32
    %neg3A_429 = vector.broadcast %neg3A_428 : f32 to vector<512xf32>
    %neg3A_430 = arith.subf %neg3A_429, %log3A_427 : vector<512xf32>
    %add3A_431 = arith.addf %reduce_max3A_416, %neg3A_430 : vector<512xf32>
    %div3A_432 = vector.broadcast %get3A_5 : f32 to vector<512xf32>
    %div3A_433 = arith.divf %add3A_431, %div3A_432 : vector<512xf32>
    %add3A_434 = arith.constant 9.99999974E-6 : f32
    %add3A_435 = vector.broadcast %add3A_434 : f32 to vector<512xf32>
    %add3A_436 = arith.addf %reduce_max3A_407, %add3A_435 : vector<512xf32>
    %log3A_437 = math.log %add3A_436 : vector<512xf32>
    %neg3A_438 = arith.constant 0.000000e+00 : f32
    %neg3A_439 = vector.broadcast %neg3A_438 : f32 to vector<512xf32>
    %neg3A_440 = arith.subf %neg3A_439, %log3A_437 : vector<512xf32>
    %add3A_441 = arith.constant 9.99999974E-6 : f32
    %add3A_442 = vector.broadcast %add3A_441 : f32 to vector<512xf32>
    %add3A_443 = arith.addf %neg3A_440, %add3A_442 : vector<512xf32>
    %log3A_444 = math.log %add3A_443 : vector<512xf32>
    %neg3A_445 = arith.constant 0.000000e+00 : f32
    %neg3A_446 = vector.broadcast %neg3A_445 : f32 to vector<512xf32>
    %neg3A_447 = arith.subf %neg3A_446, %log3A_444 : vector<512xf32>
    %add3A_448 = arith.addf %reduce_max3A_407, %neg3A_447 : vector<512xf32>
    %div3A_449 = vector.broadcast %get3A_5 : f32 to vector<512xf32>
    %div3A_450 = arith.divf %add3A_448, %div3A_449 : vector<512xf32>
    %sub3A_451 = arith.subf %div3A_433, %div3A_450 : vector<512xf32>
    %exp3A_452 = math.exp %sub3A_451 : vector<512xf32>
    %ge3A_453 = arith.constant 1.000000e+00 : f32
    %ge3A_454 = vector.broadcast %ge3A_453 : f32 to vector<512xf32>
    %ge3A_455 = arith.cmpf oge, %exp3A_452, %ge3A_454 : vector<512xf32>
    %min3A_456 = arith.minsi %argmax3A_405, %argmax3A_414 : vector<512xi32>
    %select_n3A_457 = arith.select %ge3A_455, %min3A_456, %argmax3A_405 : vector<512xi1>, vector<512xi32>
    %add3A_458 = arith.constant 3584 : i32
    %add3A_459 = vector.broadcast %add3A_458 : i32 to vector<512xi32>
    %add3A_460 = arith.addi %select_n3A_457, %add3A_459 : vector<512xi32>
    %stack3A = vector.shape_cast %add3A_61 : vector<512xi32> to vector<1x512xi32>
    %stack3A_461 = vector.shape_cast %add3A_118 : vector<512xi32> to vector<1x512xi32>
    %stack3A_462 = vector.shape_cast %add3A_175 : vector<512xi32> to vector<1x512xi32>
    %stack3A_463 = vector.shape_cast %add3A_232 : vector<512xi32> to vector<1x512xi32>
    %stack3A_464 = vector.shape_cast %add3A_289 : vector<512xi32> to vector<1x512xi32>
    %stack3A_465 = vector.shape_cast %add3A_346 : vector<512xi32> to vector<1x512xi32>
    %stack3A_466 = vector.shape_cast %add3A_403 : vector<512xi32> to vector<1x512xi32>
    %stack3A_467 = vector.shape_cast %add3A_460 : vector<512xi32> to vector<1x512xi32>
    %stack3A_468 = tpu.concatenate %stack3A, %stack3A_461, %stack3A_462, %stack3A_463, %stack3A_464, %stack3A_465, %stack3A_466, %stack3A_467 in 0 : vector<1x512xi32>, vector<1x512xi32>, vector<1x512xi32>, vector<1x512xi32>, vector<1x512xi32>, vector<1x512xi32>, vector<1x512xi32>, vector<1x512xi32> -> vector<8x512xi32>
    %swap3A_469 = arith.constant 0 : index
    %swap3A_470 = arith.constant 0 : index
    %swap3A_471 = arith.constant 0 : index
    %swap3A_472 = vector.load %arg7[%swap3A_469, %swap3A_470, %swap3A_471] : memref<1x8x512xi32, #tpu.memory_space<vmem>>, vector<1x8x512xi32>
    %swap3A_473 = vector.shape_cast %swap3A_472 : vector<1x8x512xi32> to vector<8x512xi32>
    %swap3A_474 = vector.shape_cast %stack3A_468 : vector<8x512xi32> to vector<1x8x512xi32>
    tpu.vector_store %arg7[%swap3A_469, %swap3A_470, %swap3A_471], %swap3A_474 {strides = array<i32>} : memref<1x8x512xi32, #tpu.memory_space<vmem>>, vector<1x8x512xi32>,
    return
  }
  func.func @transform_0(%arg0: i32, %arg1: i32) -> i32 {
    %c0_i32 = arith.constant 0 : i32
    %c0_i32_0 = arith.constant 0 : i32
    return %c0_i32 : i32
  }
  func.func @transform_1(%arg0: i32, %arg1: i32) -> (i32, i32, i32) {
    %c0_i32 = arith.constant 0 : i32
    %c0_i32_0 = arith.constant 0 : i32
    return %arg0, %arg1, %c0_i32 : i32, i32, i32
  }
  func.func @transform_2(%arg0: i32, %arg1: i32) -> (i32, i32) {
    %c0_i32 = arith.constant 0 : i32
    %c0_i32_0 = arith.constant 0 : i32
    %c0_i32_1 = arith.constant 0 : i32
    return %c0_i32, %c0_i32_0 : i32, i32
  }
  func.func @transform_3(%arg0: i32, %arg1: i32) -> (i32, i32) {
    %c0_i32 = arith.constant 0 : i32
    %c0_i32_0 = arith.constant 0 : i32
    %c0_i32_1 = arith.constant 0 : i32
    return %c0_i32, %c0_i32_0 : i32, i32
  }
  func.func @transform_4(%arg0: i32, %arg1: i32) -> (i32, i32, i32) {
    %c0_i32 = arith.constant 0 : i32
    %c0_i32_0 = arith.constant 0 : i32
    return %arg0, %c0_i32, %arg1 : i32, i32, i32
  }
  func.func @transform_5(%arg0: i32, %arg1: i32) -> (i32, i32, i32) {
    %c0_i32 = arith.constant 0 : i32
    %c0_i32_0 = arith.constant 0 : i32
    return %arg0, %c0_i32, %arg1 : i32, i32, i32
  }
}

</mosaic_0001>

<sc_bundles>
// kernel: kernel.4.cloned.1.call-start
scs
__scs_entry_jumppad:
0x0: {  	(pc) =	sbr.rel $0x88, $3  }
0x1: {  	(tag) =	ssettag $0x0;
	lr =	simm.s32 $0x1  }
0x2: {  	[smem:$0x3F9C] =	sst lr;
	_ =	strace $0xD0000000  }
0x3: {  	_ = 	snop  }
0x4: {  	_ = 	snop  }
0x5: {  	_ = 	snop  }
0x6: {  	_ = 	snop  }
0x7: {  	_ = 	snop  }
__scs_overlays_trampoline_lowered:
0x8: {  	[smem:$0x3FAB] =	sst s0  }
0x9: {  	[smem:$0x3FAC] =	sst s1  }
0xa: {  	[smem:$0x3FAD] =	sst s2  }
0xb: {  	[smem:$0x3FAE] =	sst s3  }
0xc: {  	[smem:$0x3FAF] =	sst s4  }
0xd: {  	[smem:$0x3FB0] =	sst s5  }
0xe: {  	[smem:$0x3FB1] =	sst s6  }
0xf: {  	[smem:$0x3FB2] =	sst s7  }
0x10: {  	[smem:$0x3FB3] =	sst s8  }
0x11: {  	[smem:$0x3FB4] =	sst s9;
	s0 =	simm.s32 @!p0 $0x0  }
0x12: {  	s1 =	sld [smem:$0x3F9A];
	s0 =	simm.s32 @p0 $0x1  }
0x13: {  	[smem:$0x3FB5] =	sst s0;
	s0 =	simm.s32 @!p1 $0x0  }
0x14: {  	s2 =	sld [smem:$0x3F99];
	s0 =	simm.s32 @p1 $0x1  }
0x15: {  	[smem:$0x3FB6] =	sst s0;
	s0 =	simm.s32 @!p2 $0x0  }
0x16: {  	s3 =	sld [smem:$0x3FDB];
	s0 =	simm.s32 @p2 $0x1  }
0x17: {  	s4 =	simm.s32 $0x1BF5;
	[smem:$0x3FB8] =	sst s0  }
0x18: {  	s0 =	sld [smem:$0x3F9B];
	_ =	swait.ge [sflag:s4], $0x0  }
0x19: {  	s7 =	sld [smem:$0x3F9C]  }
0x1a: {  	s8 =	sadd.s32 $0xFFFFE003, lr  }
0x1b: {  	s9 =	sadd.s32 $0xFFFFFEF7, lr;
	s5 =	simm.s32 $0xFFFFFFFF;
	p2 =	slt.u32 s8, $0xFFFFF086  }
0x1c: {  	p1 =	slt.u32 s9, $0xF7A;
	s5 =	simm.s32 @!p2 $0x0  }
0x1d: {  	s5 =	simm.s32 @p1 $0x1;
	p0 =	seq.s32 s7, s2  }
0x1e: {  	s7 =	smul.u32 @!p0 $0xF7A, s2;
	p2 =	seq.s32 @!p0 s5, $0x0  }
0x1f: {  	s9 =	smul.u32 $0xF7A, s1;
	s8 =	simm.s32 @!p0 $0x1BF5;
	p2 =	por !p2, p0  }
0x20: {  	[sflag:s8] =	ssyncset.s32 @!p0 $0xFFFFF086;
	s6 =	sadd.s32 @!p0 s3, s7;
	s7 =	simm.s32 @!p0 $0x108  }
0x21: {  	s3 =	sadd.s32 s3, s9;
	s6 =	sadd.s32 @!p0 $0x88, s6;
	s7 =	simm.s32 @p2 $0x1082  }
0x22: {  	[simem:s7], [sflag:s8] =	dma.local @!p0 [hbm:s6], $0xF7A  }
0x23: {  	s9 =	sor.u32 $0xD0000000, s2;
	s6 =	simm.s32 $0x108;
	_ =	swait.ge @!p0 [sflag:s8], $0x0  }
0x24: {  	s3 =	sadd.s32 $0x88, s3;
	s6 =	simm.s32 @!p1 $0x1082;
	[sflag:s4] =	ssyncset.s32 $0xFFFFF086  }
0x25: {  	[simem:s6], [sflag:s4] =	dma.local [hbm:s3], $0xF7A  }
0x26: {  	[smem:$0x3F9C] =	sst s1;
	(tag) =	ssettag s2;
	_ =	strace s9  }
0x27: {  	s1 =	sld [smem:$0x3FAC]  }
0x28: {  	s2 =	sld [smem:$0x3FAD]  }
0x29: {  	s4 =	sld [smem:$0x3FAF]  }
0x2a: {  	p0 =	seq.s32 s5, $0x0;
	s5 =	sld [smem:$0x3FB0]  }
0x2b: {  	s6 =	sld [smem:$0x3FB1]  }
0x2c: {  	s7 =	sld [smem:$0x3FB2]  }
0x2d: {  	s3 =	simm.s32 $0x108;
	s8 =	sld [smem:$0x3FB3]  }
0x2e: {  	s3 =	simm.s32 @!p0 $0x1082;
	s9 =	sld [smem:$0x3FB4]  }
0x2f: {  	lr =	sadd.s32 s0, s3;
	s0 =	sld [smem:$0x3FAB]  }
0x30: {  	s3 =	sld [smem:$0x3FAE]  }
0x31: {  	[smem:$0x3FB7] =	sst s10  }
0x32: {  	s10 =	sld [smem:$0x3FB5];
	_ =	sdelay $0x3  }
0x33: {  	p0 =	seq.s32 s10, $0x1;
	s10 =	sld [smem:$0x3FB7];
	_ =	sdelay $0x3  }
0x34: {  	[smem:$0x3FB7] =	sst s10  }
0x35: {  	s10 =	sld [smem:$0x3FB6];
	_ =	sdelay $0x3  }
0x36: {  	p1 =	seq.s32 s10, $0x1;
	s10 =	sld [smem:$0x3FB7];
	_ =	sdelay $0x3  }
0x37: {  	[smem:$0x3FB7] =	sst s10  }
0x38: {  	s10 =	sld [smem:$0x3FB8]  }
0x39: {  	_ = 	snop;
	(pc) =	sbr.ind lr, $3  }
0x3a: {  	_ = 	snop  }
0x3b: {  	_ = 	snop  }
0x3c: {  	p2 =	seq.s32 s10, $0x1;
	s10 =	sld [smem:$0x3FB7]  }
0x3d: {  	_ =	shalt  }
0x3e: {  	_ =	shalt  }
0x3f: {  	_ =	shalt  }
0x40: {  	_ =	shalt  }
0x41: {  	_ =	shalt  }
0x42: {  	_ =	shalt  }
0x43: {  	_ =	shalt  }
0x44: {  	_ =	shalt  }
0x45: {  	_ =	shalt  }
0x46: {  	_ =	shalt  }
0x47: {  	_ =	shalt  }
0x48: {  	_ =	shalt  }
0x49: {  	_ =	shalt  }
0x4a: {  	_ =	shalt  }
0x4b: {  	_ =	shalt  }
0x4c: {  	_ =	shalt  }
0x4d: {  	_ =	shalt  }
0x4e: {  	_ =	shalt  }
0x4f: {  	_ =	shalt  }
0x50: {  	_ =	shalt  }
0x51: {  	_ =	shalt  }
0x52: {  	_ =	shalt  }
0x53: {  	_ =	shalt  }
0x54: {  	_ =	shalt  }
0x55: {  	_ =	shalt  }
0x56: {  	_ =	shalt  }
0x57: {  	_ =	shalt  }
0x58: {  	_ =	shalt  }
0x59: {  	_ =	shalt  }
0x5a: {  	_ =	shalt  }
0x5b: {  	_ =	shalt  }
0x5c: {  	_ =	shalt  }
0x5d: {  	_ =	shalt  }
0x5e: {  	_ =	shalt  }
0x5f: {  	_ =	shalt  }
0x60: {  	_ =	shalt  }
0x61: {  	_ =	shalt  }
0x62: {  	_ =	shalt  }
0x63: {  	_ =	shalt  }
0x64: {  	_ =	shalt  }
0x65: {  	_ =	shalt  }
0x66: {  	_ =	shalt  }
0x67: {  	_ =	shalt  }
0x68: {  	_ =	shalt  }
0x69: {  	_ =	shalt  }
0x6a: {  	_ =	shalt  }
0x6b: {  	_ =	shalt  }
0x6c: {  	_ =	shalt  }
0x6d: {  	_ =	shalt  }
0x6e: {  	_ =	shalt  }
0x6f: {  	_ =	shalt  }
0x70: {  	_ =	shalt  }
0x71: {  	_ =	shalt  }
0x72: {  	_ =	shalt  }
0x73: {  	_ =	shalt  }
0x74: {  	_ =	shalt  }
0x75: {  	_ =	shalt  }
0x76: {  	_ =	shalt  }
0x77: {  	_ =	shalt  }
0x78: {  	_ =	shalt  }
0x79: {  	_ =	shalt  }
0x7a: {  	_ =	shalt  }
0x7b: {  	_ =	shalt  }
0x7c: {  	_ =	shalt  }
0x7d: {  	_ =	shalt  }
0x7e: {  	_ =	shalt  }
0x7f: {  	_ =	shalt  }
0x80: {  	_ =	shalt  }
0x81: {  	_ =	shalt  }
0x82: {  	_ =	shalt  }
0x83: {  	_ =	shalt  }
0x84: {  	_ =	shalt  }
0x85: {  	_ =	shalt  }
0x86: {  	_ =	shalt  }
0x87: {  	_ =	shalt  }
.Lfunc_end0:
.L_simem_size_0:
called_computation_lowered:
.L_overlay_start_0:
0x88: {  	s2 =	sld [smem:$0x3FD9]  }
0x89: {  	s3 =	sld [smem:$0x3FFE];
	_ =	sdelay $0x1  }
0x8a: {  	s1 =	srdreg.scid  }
0x8b: {  	s0 =	sand.u32 $0x1, s1  }
0x8c: {  	s14 =	sshll.u32 s0, $0xA;
	s2 =	sadd.s32 s3, s2  }
0x8d: {  	s2 =	sadd.s32 s2, s14  }
0x8e: {  	[smem:$0x3FC3] =	sst s2  }
0x8f: {  	_ = 	snop  }
0x90: {  	s2 =	sld [smem:$0x3FD0];
	_ =	sdelay $0x2  }
0x91: {  	s15 =	simm.s32 $0xA;
	s4 =	simm.s32 $0x10  }
0x92: {  	[smem:s4], [sflag:s15] =	dma.local [hbm:s2], $0x1  }
0x93: {  	_ =	swait.eq [sflag:s15], $0x1  }
0x94: {  	[sflag:s15] =	ssyncset.done $0x0  }
0x95: {  	[sflag:s15] =	ssyncadd.s32 $0xFFFFFFFF  }
0x96: {  	s16 =	sld [smem:$0x10];
	(tm) =	ssettm $0x1  }
0x97: {  	s17 =	sld [smem:$0x3FFB];
	_ =	sdelay $0x3  }
0x98: {  	_ =	strace s17  }
0x99: {  	s3 =	sld [smem:$0x3FFC];
	_ =	sdelay $0x3  }
0x9a: {  	_ =	strace s3  }
0x9b: {  	s3 =	sld [smem:$0x3FFD];
	_ =	sdelay $0x3  }
0x9c: {  	_ =	strace s3  }
0x9d: {  	_ =	strace $0x8FFFFFFF  }
0x9e: {  	s18 =	sld [smem:$0x3FDB];
	_ =	sdelay $0x1  }
0x9f: {  	s19 =	simm.s32 $_scs_section_size  }
0xa0: {  	s5 =	simm.s32 $_size__tile_overlayer_lowered;
	s6 =	simm.s32 $_tile_overlayer_lowered  }
0xa1: {  	s22 =	simm.s32 $0x1BFF;
	s21 =	sshll.u32 s6, $0x1;
	s3 =	sadd.s32 s19, s18  }
0xa2: {  	s7 =	simm.s32 $0x0;
	s20 =	sshll.u32 s5, $0x1;
	s5 =	sadd.s32 s21, s3  }
0xa3: {  	[timem:s7], [sflag:s22] =	dma.local [hbm:s5], s20  }
0xa4: {  	_ =	swait.ge [sflag:s22], s20  }
0xa5: {  	s4 =	ssub.s32 $0x0, s20;
	[sflag:s22] =	ssyncset.done $0x0  }
0xa6: {  	[sflag:s22] =	ssyncadd.s32 s4;
	_ =	sdelay $0x1  }
0xa7: {  	s23 =	simm.s32 $0x1B8B  }
0xa8: {  	_ =	swait.ge [sflag:s23], $0x1  }
0xa9: {  	[sflag:s23] =	ssyncset.done $0x0  }
0xaa: {  	s25 =	simm.s32 $0x1B8E;
	s24 =	sld [smem:$0x3FFE];
	[sflag:s23] =	ssyncadd.s32 $0xFFFFFFFF  }
0xab: {  	s26 =	simm.s32 $execute0_lowered;
	[smem:$0x3FD2] =	sst s25  }
0xac: {  	s5 =	sshll.u32 s26, $0x1;
	_ =	strace $0x80000046;
	[dreg:$0x1] =	wrdreg $0xFFFFFFFF  }
0xad: {  	s28 =	simm.s32 $_size_execute0_lowered;
	s3 =	sadd.s32 s3, s5;
	[dreg:$0x0] =	wrdreg $0x0  }
0xae: {  	s5 =	sshll.u32 s28, $0x1;
	[dreg:$0x2] =	wrdreg s3  }
0xaf: {  	[dreg:$0x3] =	wrdreg s5  }
0xb0: {  	[dreg:$0x4] =	wrdreg $0xC0  }
0xb1: {  	_ =	task [dreg:s7], $0x5FFFF  }
0xb2: {  	[dreg:$0x1] =	wrdreg $0xFFFFFFFF  }
0xb3: {  	[dreg:$0x0] =	wrdreg $0x60  }
0xb4: {  	[dreg:$0x2] =	wrdreg s16  }
0xb5: {  	[dreg:$0x3] =	wrdreg s24  }
0xb6: {  	[dreg:$0x4] =	wrdreg $0x108000  }
0xb7: {  	[dreg:$0x5] =	wrdreg $0x9  }
0xb8: {  	_ =	task.clear_ibuf [dreg:s7], $0x6FFFF;
	_ =	strace $0x90000046  }
0xb9: {  	s29 =	simm.s32 $0x9;
	_ =	strace $0x80000048  }
0xba: {  	_ =	swait.ge [sflag:s29], $0x1  }
0xbb: {  	[sflag:s29] =	ssyncadd.s32 $0xFFFFFFFF  }
0xbc: {  	_ =	strace $0x90000048  }
0xbd: {  	_ =	sfence  }
0xbe: {  	s30 =	sld [smem:$0x0];
	_ =	sdelay $0x2  }
0xbf: {  	s31 =	sshll.u32 s1, $0xD;
	s1 =	sshrl.u32 s1, $0x2  }
0xc0: {  	s3 =	sand.u32 $0x4000, s31;
	s1 =	sadd.s32 s1, s30  }
0xc1: {  	s0 =	sor.u32 s3, s0;
	s1 =	sshll.u32 s1, $0x11  }
0xc2: {  	s0 =	sor.u32 s1, s0  }
0xc3: {  	s0 =	sadd.s32 $0x8F2B, s0  }
0xc4: {  	[sflag:s0] =	ssyncadd.remote.s32 $0x1  }
0xc5: {  	_ =	sfence.sel $0xFFFF  }
0xc6: {  	[dreg:$0x0] =	wrdreg $0xFFFFFFFF;
	(pc) =	sbr.abs _section_cstart, $3  }
0xc7: {  	[dreg:$0x1] =	wrdreg $0xFFFFFFFF  }
0xc8: {  	_ =	task.clear_ibuf [dreg:s7], $0x2FFFF;
	_ =	strace $0x9FFFFFFF  }
0xc9: {  	(tm) =	ssettm $0x7FFFFFFF  }
tec
execute0_lowered:
.L_overlay_start_1:
0x0: {  	(tag) =	ssettag $0x1  }
0x1: {  	s0 =	rddreg [dreg:$0x0]  }
0x2: {  	s1 =	rddreg [dreg:$0x1]  }
0x3: {  	s2 =	rddreg [dreg:$0x2]  }
0x4: {  	s15 =	rddreg [dreg:$0x3];
	s8 =	stileid.u32  }
0x5: {  	s19 =	simm.s32 $0x0;
	s3 =	srdreg.scid;
	s30 =	simm.s32 $0x4  }
0x6: {  	s29 =	simm.s32 $0x180;
	s28 =	simm.s32 $0x280;
	s24 =	simm.s32 $0x300  }
0x7: {  	s25 =	simm.s32 $0x380;
	s23 =	simm.s32 $0x480;
	p0 =	por $0x0, $0x0  }
0x8: {  	s4 =	sshll.u32 s8, $0x1;
	[smem:$0x7FF] =	sst s19;
	s3 =	sand.u32 $0x1, s3  }
0x9: {  	s5 =	sshrl.u32 s8, $0x2;
	s26 =	sshll.u32 s8, $0xC;
	s9 =	sshll.u32 s8, $0x6  }
0xa: {  	s17 =	sshll.u32 s8, $0xF;
	s8 =	simm.s32 $0x2;
	s4 =	sand.u32 $0x6, s4  }
0xb: {  	_ =	strace $0x80000047;
	s6 =	sshll.u32 s5, $0xB;
	s5 =	sshll.u32 s5, $0x12  }
0xc: {  	s0 =	sadd.s32 s0, s26;
	s10 =	sor.u32 $0x1C04, s9;
	s20 =	sadd.s32 s17, s2  }
0xd: {  	s26 =	simm.s32 $0x200;
	s9 =	simm.s32 $0x3;
	s17 =	simm.s32 $0x780  }
0xe: {  	s4 =	sor.u32 s3, s4;
	s6 =	sadd.s32 s6, s1;
	[dreg:$0x4] =	wrdreg s0  }
0xf: {  	[dreg:$0x5] =	wrdreg s10;
	s7 =	sshll.u32 s4, $0x4;
	s4 =	sshll.u32 s4, $0x8  }
0x10: {  	s3 =	ssub.s32 $0x2, s3;
	s31 =	sshrl.u32 s20, $0x3;
	s4 =	sadd.s32 s4, s6  }
0x11: {  	s13 =	sshrl.u32 s3, $0x1;
	s5 =	sor.u32 s5, s7;
	s11 =	sadd.s32 $0x600, s4  }
0x12: {  	s1 =	sadd.s32 s5, s1;
	s4 =	ssub.s32 s3, s13;
	[dreg:$0x6] =	wrdreg s11  }
0x13: {  	s12 =	sadd.s32 $0x2600, s1;
	s14 =	sadd.s32 $0xA600, s1;
	s16 =	sadd.s32 $0x12600, s1  }
0x14: {  	s18 =	sadd.s32 $0x1A600, s1;
	s21 =	sadd.s32 $0x22600, s1;
	s13 =	sadd.s32 $0x2A600, s1  }
0x15: {  	s10 =	sadd.s32 $0x32600, s1;
	s3 =	sadd.s32 $0x3A600, s1;
	s1 =	rddreg [dreg:$0x4]  }
0x16: {  	s20 =	simm.s32 $0x680;
	s22 =	smax.u32 s4, $0x1;
	[dreg:$0x7] =	wrdreg s12  }
0x17: {  	s6 =	simm.s32 $0x400;
	[dreg:$0x8] =	wrdreg s14;
	p1 =	sne.s32 s22, $0x1  }
.Ltmp0:
0x18: {  	s7 =	simm.s32 $0x8800;
	[dreg:$0x9] =	wrdreg s16;
	(pc) =	sbr.rel @!p1 .LBB2_1-.Ltmp0, $4  }
0x19: {  	s5 =	simm.s32 $0x1;
	s4 =	simm.s32 $0x80;
	[dreg:$0xa] =	wrdreg s18  }
0x1a: {  	s11 =	simm.s32 $0x800;
	[dreg:$0xb] =	wrdreg s21;
	s14 =	simm.s32 $0x4800  }
0x1b: {  	s12 =	simm.s32 $0xC800;
	s0 =	sadd.s32 $0xFFFFFFFF, s22;
	s21 =	simm.s32 $0x500  }
0x1c: {  	s22 =	simm.s32 $0x580;
	s18 =	simm.s32 $0x600;
	s16 =	simm.s32 $0x700  }
0x1d: {  	s15 =	smov.u32 s0;
	s0 =	rddreg [dreg:$0x5]  }
0x1e: {  	[spmem:s31], [sflag:s0] =	dma.local [hbm:s1], $0x1000  }
0x1f: {  	_ =	swait.ge [sflag:s30], $0x1000  }
0x20: {  	[sflag:s30] =	ssyncset.done $0x0  }
0x21: {  	[sflag:s30] =	ssyncadd.s32 $0xFFFFF000  }
0x22: {  	[bflag:$0x0] =	sbarrier.arrive $0xFFFF  }
0x23: {  	s1 =	rddreg [dreg:$0x6]  }
0x24: {  	[tilespmem:s19], [sflag:$0x4] =	stream.linear.gather [hbm4b:s1+s19], $0x800, $0x38;
	[tilespmem:$0x18800] =	vst v63  }
0x25: {  	_ =	swait.ge [sflag:s30], $0x800  }
0x26: {  	[sflag:s30] =	ssyncset.done $0x0  }
0x27: {  	[sflag:s30] =	ssyncadd.s32 $0xFFFFF800  }
0x28: {  	[tilespmem:s11], [sflag:$0x1] =	stream.indirect.gather [spmem:s2], $0x80, s19, s4, $0xb8;
	[tilespmem:$0x18800] =	vst v63  }
0x29: {  	_ = 	snop  }
0x2a: {  	[tilespmem:s14], [sflag:$0x1] =	stream.indirect.gather [spmem:s2], $0x80, s4, s4, $0xb8;
	[tilespmem:$0x18800] =	vst v63  }
0x2b: {  	_ =	swait.ge [sflag:s5], $0x4000  }
0x2c: {  	[sflag:s5] =	ssyncset.done $0x0  }
0x2d: {  	[sflag:s5] =	ssyncadd.s32 $0xFFFFC000  }
0x2e: {  	_ =	swait.ge [sflag:s5], $0x4000  }
0x2f: {  	[sflag:s5] =	ssyncset.done $0x0  }
0x30: {  	s1 =	rddreg [dreg:$0x7];
	[sflag:s5] =	ssyncadd.s32 $0xFFFFC000  }
0x31: {  	[hbm4b:s1+s4] =	stream.strided.scatter [tilespmem:s11], [sflag:$0x2], $0x8000, s6, s4, $0x38;
	[tilespmem:$0x18800] =	vst v63  }
0x32: {  	s1 =	simm.s32 $0x100  }
0x33: {  	[tilespmem:s7], [sflag:$0x1] =	stream.indirect.gather [spmem:s2], $0x80, s1, s4, $0xb8;
	[tilespmem:$0x18800] =	vst v63  }
0x34: {  	_ = 	snop  }
0x35: {  	[tilespmem:s12], [sflag:$0x1] =	stream.indirect.gather [spmem:s2], $0x80, s29, s4, $0xb8;
	[tilespmem:$0x18800] =	vst v63  }
0x36: {  	_ =	swait.ge [sflag:s5], $0x4000  }
0x37: {  	[sflag:s5] =	ssyncset.done $0x0  }
0x38: {  	[sflag:s5] =	ssyncadd.s32 $0xFFFFC000  }
0x39: {  	_ =	swait.ge [sflag:s5], $0x4000  }
0x3a: {  	[sflag:s5] =	ssyncset.done $0x0  }
0x3b: {  	s1 =	rddreg [dreg:$0x8];
	[sflag:s5] =	ssyncadd.s32 $0xFFFFC000  }
0x3c: {  	[hbm4b:s1+s4] =	stream.strided.scatter [tilespmem:s7], [sflag:$0x3], $0x8000, s6, s4, $0x38;
	[tilespmem:$0x18800] =	vst v63  }
0x3d: {  	_ =	swait.ge [sflag:s8], $0x8000  }
0x3e: {  	[sflag:s8] =	ssyncset.done $0x0  }
0x3f: {  	[sflag:s8] =	ssyncadd.s32 $0xFFFF8000  }
0x40: {  	[tilespmem:s11], [sflag:$0x1] =	stream.indirect.gather [spmem:s2], $0x80, s26, s4, $0xb8;
	[tilespmem:$0x18800] =	vst v63  }
0x41: {  	_ = 	snop  }
0x42: {  	[tilespmem:s14], [sflag:$0x1] =	stream.indirect.gather [spmem:s2], $0x80, s28, s4, $0xb8;
	[tilespmem:$0x18800] =	vst v63  }
0x43: {  	_ =	swait.ge [sflag:s5], $0x4000  }
0x44: {  	[sflag:s5] =	ssyncset.done $0x0  }
0x45: {  	[sflag:s5] =	ssyncadd.s32 $0xFFFFC000  }
0x46: {  	_ =	swait.ge [sflag:s5], $0x4000  }
0x47: {  	[sflag:s5] =	ssyncset.done $0x0  }
0x48: {  	s1 =	rddreg [dreg:$0x9];
	[sflag:s5] =	ssyncadd.s32 $0xFFFFC000  }
0x49: {  	[hbm4b:s1+s4] =	stream.strided.scatter [tilespmem:s11], [sflag:$0x2], $0x8000, s6, s4, $0x38;
	[tilespmem:$0x18800] =	vst v63  }
0x4a: {  	_ =	swait.ge [sflag:s9], $0x8000  }
0x4b: {  	[sflag:s9] =	ssyncset.done $0x0  }
0x4c: {  	[sflag:s9] =	ssyncadd.s32 $0xFFFF8000  }
0x4d: {  	[tilespmem:s7], [sflag:$0x1] =	stream.indirect.gather [spmem:s2], $0x80, s24, s4, $0xb8;
	[tilespmem:$0x18800] =	vst v63  }
0x4e: {  	_ = 	snop  }
0x4f: {  	[tilespmem:s12], [sflag:$0x1] =	stream.indirect.gather [spmem:s2], $0x80, s25, s4, $0xb8;
	[tilespmem:$0x18800] =	vst v63  }
0x50: {  	_ =	swait.ge [sflag:s5], $0x4000  }
0x51: {  	[sflag:s5] =	ssyncset.done $0x0  }
0x52: {  	[sflag:s5] =	ssyncadd.s32 $0xFFFFC000  }
0x53: {  	_ =	swait.ge [sflag:s5], $0x4000  }
0x54: {  	[sflag:s5] =	ssyncset.done $0x0  }
0x55: {  	s1 =	rddreg [dreg:$0xa];
	[sflag:s5] =	ssyncadd.s32 $0xFFFFC000  }
0x56: {  	[hbm4b:s1+s4] =	stream.strided.scatter [tilespmem:s7], [sflag:$0x3], $0x8000, s6, s4, $0x38;
	[tilespmem:$0x18800] =	vst v63  }
0x57: {  	_ =	swait.ge [sflag:s8], $0x8000  }
0x58: {  	[sflag:s8] =	ssyncset.done $0x0  }
0x59: {  	[sflag:s8] =	ssyncadd.s32 $0xFFFF8000  }
0x5a: {  	[tilespmem:s11], [sflag:$0x1] =	stream.indirect.gather [spmem:s2], $0x80, s6, s4, $0xb8;
	[tilespmem:$0x18800] =	vst v63  }
0x5b: {  	_ = 	snop  }
0x5c: {  	[tilespmem:s14], [sflag:$0x1] =	stream.indirect.gather [spmem:s2], $0x80, s23, s4, $0xb8;
	[tilespmem:$0x18800] =	vst v63  }
0x5d: {  	_ =	swait.ge [sflag:s5], $0x4000  }
0x5e: {  	[sflag:s5] =	ssyncset.done $0x0  }
0x5f: {  	[sflag:s5] =	ssyncadd.s32 $0xFFFFC000  }
0x60: {  	_ =	swait.ge [sflag:s5], $0x4000  }
0x61: {  	[sflag:s5] =	ssyncset.done $0x0  }
0x62: {  	s1 =	rddreg [dreg:$0xb];
	[sflag:s5] =	ssyncadd.s32 $0xFFFFC000  }
0x63: {  	[hbm4b:s1+s4] =	stream.strided.scatter [tilespmem:s11], [sflag:$0x2], $0x8000, s6, s4, $0x38;
	[tilespmem:$0x18800] =	vst v63  }
0x64: {  	_ =	swait.ge [sflag:s9], $0x8000  }
0x65: {  	[sflag:s9] =	ssyncset.done $0x0  }
0x66: {  	[sflag:s9] =	ssyncadd.s32 $0xFFFF8000  }
0x67: {  	[tilespmem:s7], [sflag:$0x1] =	stream.indirect.gather [spmem:s2], $0x80, s21, s4, $0xb8;
	[tilespmem:$0x18800] =	vst v63  }
0x68: {  	_ = 	snop  }
0x69: {  	[tilespmem:s12], [sflag:$0x1] =	stream.indirect.gather [spmem:s2], $0x80, s22, s4, $0xb8;
	[tilespmem:$0x18800] =	vst v63  }
0x6a: {  	_ =	swait.ge [sflag:s5], $0x4000  }
0x6b: {  	[sflag:s5] =	ssyncset.done $0x0  }
0x6c: {  	[sflag:s5] =	ssyncadd.s32 $0xFFFFC000  }
0x6d: {  	_ =	swait.ge [sflag:s5], $0x4000  }
0x6e: {  	[sflag:s5] =	ssyncset.done $0x0  }
0x6f: {  	[sflag:s5] =	ssyncadd.s32 $0xFFFFC000  }
0x70: {  	[hbm4b:s13+s4] =	stream.strided.scatter [tilespmem:s7], [sflag:$0x3], $0x8000, s6, s4, $0x38;
	[tilespmem:$0x18800] =	vst v63  }
0x71: {  	_ =	swait.ge [sflag:s8], $0x8000  }
0x72: {  	[sflag:s8] =	ssyncset.done $0x0  }
0x73: {  	[sflag:s8] =	ssyncadd.s32 $0xFFFF8000  }
0x74: {  	[tilespmem:s11], [sflag:$0x1] =	stream.indirect.gather [spmem:s2], $0x80, s18, s4, $0xb8;
	[tilespmem:$0x18800] =	vst v63  }
0x75: {  	_ = 	snop  }
0x76: {  	[tilespmem:s14], [sflag:$0x1] =	stream.indirect.gather [spmem:s2], $0x80, s20, s4, $0xb8;
	[tilespmem:$0x18800] =	vst v63  }
0x77: {  	_ =	swait.ge [sflag:s5], $0x4000  }
0x78: {  	[sflag:s5] =	ssyncset.done $0x0  }
0x79: {  	[sflag:s5] =	ssyncadd.s32 $0xFFFFC000  }
0x7a: {  	_ =	swait.ge [sflag:s5], $0x4000  }
0x7b: {  	[sflag:s5] =	ssyncset.done $0x0  }
0x7c: {  	[sflag:s5] =	ssyncadd.s32 $0xFFFFC000  }
0x7d: {  	[hbm4b:s10+s4] =	stream.strided.scatter [tilespmem:s11], [sflag:$0x2], $0x8000, s6, s4, $0x38;
	[tilespmem:$0x18800] =	vst v63  }
0x7e: {  	_ =	swait.ge [sflag:s9], $0x8000  }
0x7f: {  	[sflag:s9] =	ssyncset.done $0x0  }
0x80: {  	[sflag:s9] =	ssyncadd.s32 $0xFFFF8000  }
0x81: {  	[tilespmem:s7], [sflag:$0x1] =	stream.indirect.gather [spmem:s2], $0x80, s16, s4, $0xb8;
	[tilespmem:$0x18800] =	vst v63  }
0x82: {  	_ = 	snop  }
0x83: {  	[tilespmem:s12], [sflag:$0x1] =	stream.indirect.gather [spmem:s2], $0x80, s17, s4, $0xb8;
	[tilespmem:$0x18800] =	vst v63  }
0x84: {  	_ =	swait.ge [sflag:s5], $0x4000  }
0x85: {  	[sflag:s5] =	ssyncset.done $0x0  }
0x86: {  	[sflag:s5] =	ssyncadd.s32 $0xFFFFC000  }
0x87: {  	_ =	swait.ge [sflag:s5], $0x4000  }
0x88: {  	[sflag:s5] =	ssyncset.done $0x0  }
0x89: {  	p1 =	sne.s32 s15, $0x1;
	[sflag:s5] =	ssyncadd.s32 $0xFFFFC000  }
0x8a: {  	[hbm4b:s3+s4] =	stream.strided.scatter [tilespmem:s7], [sflag:$0x3], $0x8000, s6, s4, $0x38;
	[tilespmem:$0x18800] =	vst v63  }
.Ltmp1:
0x8b: {  	_ =	swait.ge [sflag:s8], $0x8000;
	(pc) =	sbr.rel @!p1 .LBB2_3-.Ltmp1, $4  }
0x8c: {  	[sflag:s8] =	ssyncset.done $0x0  }
0x8d: {  	[sflag:s8] =	ssyncadd.s32 $0xFFFF8000  }
0x8e: {  	p0 =	por $0x1, $0x1;
	_ =	swait.ge [sflag:s9], $0x8000  }
0x8f: {  	s0 =	sadd.s32 $0xFFFFFFFF, s15;
	s1 =	rddreg [dreg:$0x4];
	[sflag:s9] =	ssyncset.done $0x0  }
.LBB2_4:
0x90: {  	s15 =	rddreg [dreg:$0x5];
	[sflag:s9] =	ssyncadd.s32 $0xFFFF8000  }
0x91: {  	[spmem:s31], [sflag:s15] =	dma.local [hbm:s1], $0x1000  }
0x92: {  	_ =	swait.ge [sflag:s30], $0x1000  }
0x93: {  	[sflag:s30] =	ssyncset.done $0x0  }
0x94: {  	[sflag:s30] =	ssyncadd.s32 $0xFFFFF000  }
0x95: {  	[bflag:$0x0] =	sbarrier.arrive $0xFFFF  }
0x96: {  	s15 =	rddreg [dreg:$0x6]  }
0x97: {  	[tilespmem:s19], [sflag:$0x4] =	stream.linear.gather [hbm4b:s15+s19], $0x800, $0x38;
	[tilespmem:$0x18800] =	vst v63  }
0x98: {  	_ =	swait.ge [sflag:s30], $0x800  }
0x99: {  	[sflag:s30] =	ssyncset.done $0x0  }
0x9a: {  	[sflag:s30] =	ssyncadd.s32 $0xFFFFF800  }
0x9b: {  	[tilespmem:s11], [sflag:$0x1] =	stream.indirect.gather [spmem:s2], $0x80, s19, s4, $0xb8;
	[tilespmem:$0x18800] =	vst v63  }
0x9c: {  	_ = 	snop  }
0x9d: {  	[tilespmem:s14], [sflag:$0x1] =	stream.indirect.gather [spmem:s2], $0x80, s4, s4, $0xb8;
	[tilespmem:$0x18800] =	vst v63  }
0x9e: {  	_ =	swait.ge [sflag:s5], $0x4000  }
0x9f: {  	[sflag:s5] =	ssyncset.done $0x0  }
0xa0: {  	[sflag:s5] =	ssyncadd.s32 $0xFFFFC000  }
0xa1: {  	_ =	swait.ge [sflag:s5], $0x4000  }
0xa2: {  	[sflag:s5] =	ssyncset.done $0x0  }
0xa3: {  	s15 =	rddreg [dreg:$0x7];
	[sflag:s5] =	ssyncadd.s32 $0xFFFFC000  }
0xa4: {  	[hbm4b:s15+s4] =	stream.strided.scatter [tilespmem:s11], [sflag:$0x2], $0x8000, s6, s4, $0x38;
	[tilespmem:$0x18800] =	vst v63  }
0xa5: {  	s15 =	simm.s32 $0x100  }
0xa6: {  	[tilespmem:s7], [sflag:$0x1] =	stream.indirect.gather [spmem:s2], $0x80, s15, s4, $0xb8;
	[tilespmem:$0x18800] =	vst v63  }
0xa7: {  	_ = 	snop  }
0xa8: {  	[tilespmem:s12], [sflag:$0x1] =	stream.indirect.gather [spmem:s2], $0x80, s29, s4, $0xb8;
	[tilespmem:$0x18800] =	vst v63  }
0xa9: {  	_ =	swait.ge [sflag:s5], $0x4000  }
0xaa: {  	[sflag:s5] =	ssyncset.done $0x0  }
0xab: {  	[sflag:s5] =	ssyncadd.s32 $0xFFFFC000  }
0xac: {  	_ =	swait.ge [sflag:s5], $0x4000  }
0xad: {  	[sflag:s5] =	ssyncset.done $0x0  }
0xae: {  	s15 =	rddreg [dreg:$0x8];
	[sflag:s5] =	ssyncadd.s32 $0xFFFFC000  }
0xaf: {  	[hbm4b:s15+s4] =	stream.strided.scatter [tilespmem:s7], [sflag:$0x3], $0x8000, s6, s4, $0x38;
	[tilespmem:$0x18800] =	vst v63  }
0xb0: {  	_ =	swait.ge [sflag:s8], $0x8000  }
0xb1: {  	[sflag:s8] =	ssyncset.done $0x0  }
0xb2: {  	[sflag:s8] =	ssyncadd.s32 $0xFFFF8000  }
0xb3: {  	[tilespmem:s11], [sflag:$0x1] =	stream.indirect.gather [spmem:s2], $0x80, s26, s4, $0xb8;
	[tilespmem:$0x18800] =	vst v63  }
0xb4: {  	_ = 	snop  }
0xb5: {  	[tilespmem:s14], [sflag:$0x1] =	stream.indirect.gather [spmem:s2], $0x80, s28, s4, $0xb8;
	[tilespmem:$0x18800] =	vst v63  }
0xb6: {  	_ =	swait.ge [sflag:s5], $0x4000  }
0xb7: {  	[sflag:s5] =	ssyncset.done $0x0  }
0xb8: {  	[sflag:s5] =	ssyncadd.s32 $0xFFFFC000  }
0xb9: {  	_ =	swait.ge [sflag:s5], $0x4000  }
0xba: {  	[sflag:s5] =	ssyncset.done $0x0  }
0xbb: {  	s15 =	rddreg [dreg:$0x9];
	[sflag:s5] =	ssyncadd.s32 $0xFFFFC000  }
0xbc: {  	[hbm4b:s15+s4] =	stream.strided.scatter [tilespmem:s11], [sflag:$0x2], $0x8000, s6, s4, $0x38;
	[tilespmem:$0x18800] =	vst v63  }
0xbd: {  	_ =	swait.ge [sflag:s9], $0x8000  }
0xbe: {  	[sflag:s9] =	ssyncset.done $0x0  }
0xbf: {  	[sflag:s9] =	ssyncadd.s32 $0xFFFF8000  }
0xc0: {  	[tilespmem:s7], [sflag:$0x1] =	stream.indirect.gather [spmem:s2], $0x80, s24, s4, $0xb8;
	[tilespmem:$0x18800] =	vst v63  }
0xc1: {  	_ = 	snop  }
0xc2: {  	[tilespmem:s12], [sflag:$0x1] =	stream.indirect.gather [spmem:s2], $0x80, s25, s4, $0xb8;
	[tilespmem:$0x18800] =	vst v63  }
0xc3: {  	_ =	swait.ge [sflag:s5], $0x4000  }
0xc4: {  	[sflag:s5] =	ssyncset.done $0x0  }
0xc5: {  	[sflag:s5] =	ssyncadd.s32 $0xFFFFC000  }
0xc6: {  	_ =	swait.ge [sflag:s5], $0x4000  }
0xc7: {  	[sflag:s5] =	ssyncset.done $0x0  }
0xc8: {  	s15 =	rddreg [dreg:$0xa];
	[sflag:s5] =	ssyncadd.s32 $0xFFFFC000  }
0xc9: {  	[hbm4b:s15+s4] =	stream.strided.scatter [tilespmem:s7], [sflag:$0x3], $0x8000, s6, s4, $0x38;
	[tilespmem:$0x18800] =	vst v63  }
0xca: {  	_ =	swait.ge [sflag:s8], $0x8000  }
0xcb: {  	[sflag:s8] =	ssyncset.done $0x0  }
0xcc: {  	[sflag:s8] =	ssyncadd.s32 $0xFFFF8000  }
0xcd: {  	[tilespmem:s11], [sflag:$0x1] =	stream.indirect.gather [spmem:s2], $0x80, s6, s4, $0xb8;
	[tilespmem:$0x18800] =	vst v63  }
0xce: {  	_ = 	snop  }
0xcf: {  	[tilespmem:s14], [sflag:$0x1] =	stream.indirect.gather [spmem:s2], $0x80, s23, s4, $0xb8;
	[tilespmem:$0x18800] =	vst v63  }
0xd0: {  	_ =	swait.ge [sflag:s5], $0x4000  }
0xd1: {  	[sflag:s5] =	ssyncset.done $0x0  }
0xd2: {  	[sflag:s5] =	ssyncadd.s32 $0xFFFFC000  }
0xd3: {  	_ =	swait.ge [sflag:s5], $0x4000  }
0xd4: {  	[sflag:s5] =	ssyncset.done $0x0  }
0xd5: {  	s15 =	rddreg [dreg:$0xb];
	[sflag:s5] =	ssyncadd.s32 $0xFFFFC000  }
0xd6: {  	[hbm4b:s15+s4] =	stream.strided.scatter [tilespmem:s11], [sflag:$0x2], $0x8000, s6, s4, $0x38;
	[tilespmem:$0x18800] =	vst v63  }
0xd7: {  	_ =	swait.ge [sflag:s9], $0x8000  }
0xd8: {  	[sflag:s9] =	ssyncset.done $0x0  }
0xd9: {  	[sflag:s9] =	ssyncadd.s32 $0xFFFF8000  }
0xda: {  	[tilespmem:s7], [sflag:$0x1] =	stream.indirect.gather [spmem:s2], $0x80, s21, s4, $0xb8;
	[tilespmem:$0x18800] =	vst v63  }
0xdb: {  	_ = 	snop  }
0xdc: {  	[tilespmem:s12], [sflag:$0x1] =	stream.indirect.gather [spmem:s2], $0x80, s22, s4, $0xb8;
	[tilespmem:$0x18800] =	vst v63  }
0xdd: {  	_ =	swait.ge [sflag:s5], $0x4000  }
0xde: {  	[sflag:s5] =	ssyncset.done $0x0  }
0xdf: {  	[sflag:s5] =	ssyncadd.s32 $0xFFFFC000  }
0xe0: {  	_ =	swait.ge [sflag:s5], $0x4000  }
0xe1: {  	[sflag:s5] =	ssyncset.done $0x0  }
0xe2: {  	[sflag:s5] =	ssyncadd.s32 $0xFFFFC000  }
0xe3: {  	[hbm4b:s13+s4] =	stream.strided.scatter [tilespmem:s7], [sflag:$0x3], $0x8000, s6, s4, $0x38;
	[tilespmem:$0x18800] =	vst v63  }
0xe4: {  	_ =	swait.ge [sflag:s8], $0x8000  }
0xe5: {  	[sflag:s8] =	ssyncset.done $0x0  }
0xe6: {  	[sflag:s8] =	ssyncadd.s32 $0xFFFF8000  }
0xe7: {  	[tilespmem:s11], [sflag:$0x1] =	stream.indirect.gather [spmem:s2], $0x80, s18, s4, $0xb8;
	[tilespmem:$0x18800] =	vst v63  }
0xe8: {  	_ = 	snop  }
0xe9: {  	[tilespmem:s14], [sflag:$0x1] =	stream.indirect.gather [spmem:s2], $0x80, s20, s4, $0xb8;
	[tilespmem:$0x18800] =	vst v63  }
0xea: {  	_ =	swait.ge [sflag:s5], $0x4000  }
0xeb: {  	[sflag:s5] =	ssyncset.done $0x0  }
0xec: {  	[sflag:s5] =	ssyncadd.s32 $0xFFFFC000  }
0xed: {  	_ =	swait.ge [sflag:s5], $0x4000  }
0xee: {  	[sflag:s5] =	ssyncset.done $0x0  }
0xef: {  	[sflag:s5] =	ssyncadd.s32 $0xFFFFC000  }
0xf0: {  	[hbm4b:s10+s4] =	stream.strided.scatter [tilespmem:s11], [sflag:$0x2], $0x8000, s6, s4, $0x38;
	[tilespmem:$0x18800] =	vst v63  }
0xf1: {  	_ =	swait.ge [sflag:s9], $0x8000  }
0xf2: {  	[sflag:s9] =	ssyncset.done $0x0  }
0xf3: {  	[sflag:s9] =	ssyncadd.s32 $0xFFFF8000  }
0xf4: {  	[tilespmem:s7], [sflag:$0x1] =	stream.indirect.gather [spmem:s2], $0x80, s16, s4, $0xb8;
	[tilespmem:$0x18800] =	vst v63  }
0xf5: {  	_ = 	snop  }
0xf6: {  	[tilespmem:s12], [sflag:$0x1] =	stream.indirect.gather [spmem:s2], $0x80, s17, s4, $0xb8;
	[tilespmem:$0x18800] =	vst v63  }
0xf7: {  	_ =	swait.ge [sflag:s5], $0x4000  }
0xf8: {  	[sflag:s5] =	ssyncset.done $0x0  }
0xf9: {  	[sflag:s5] =	ssyncadd.s32 $0xFFFFC000  }
0xfa: {  	_ =	swait.ge [sflag:s5], $0x4000  }
0xfb: {  	[sflag:s5] =	ssyncset.done $0x0  }
0xfc: {  	p1 =	sne.s32 s0, $0x1;
	[sflag:s5] =	ssyncadd.s32 $0xFFFFC000  }
0xfd: {  	[hbm4b:s3+s4] =	stream.strided.scatter [tilespmem:s7], [sflag:$0x3], $0x8000, s6, s4, $0x38;
	[tilespmem:$0x18800] =	vst v63  }
.Ltmp2:
0xfe: {  	_ =	swait.ge [sflag:s8], $0x8000;
	(pc) =	sbr.rel @p1 .LBB2_4-.Ltmp2, $4  }
0xff: {  	[sflag:s8] =	ssyncset.done $0x0  }
0x100: {  	[sflag:s8] =	ssyncadd.s32 $0xFFFF8000  }
0x101: {  	_ =	swait.ge [sflag:s9], $0x8000  }
0x102: {  	s0 =	sadd.s32 $0xFFFFFFFF, s0;
	s1 =	rddreg [dreg:$0x4];
	[sflag:s9] =	ssyncset.done $0x0  }
0x103: {  	s17 =	simm.s32 $0x180  }
0x104: {  	s29 =	simm.s32 $0x100;
	s28 =	simm.s32 $0x280;
	s26 =	simm.s32 $0x200  }
0x105: {  	s25 =	simm.s32 $0x380;
	s24 =	simm.s32 $0x300;
	s23 =	simm.s32 $0x480  }
0x106: {  	s22 =	simm.s32 $0x580;
	s21 =	simm.s32 $0x500;
	s20 =	simm.s32 $0x680  }
0x107: {  	s18 =	simm.s32 $0x600;
	s16 =	simm.s32 $0x700;
	s15 =	rddreg [dreg:$0x3]  }
.LBB2_6:
0x108: {  	s0 =	rddreg [dreg:$0x5];
	[sflag:s9] =	ssyncadd.s32 @p0 $0xFFFF8000  }
0x109: {  	[spmem:s31], [sflag:s0] =	dma.local [hbm:s1], $0x1000  }
0x10a: {  	_ =	swait.ge [sflag:s30], $0x1000  }
0x10b: {  	[sflag:s30] =	ssyncset.done $0x0  }
0x10c: {  	[sflag:s30] =	ssyncadd.s32 $0xFFFFF000  }
0x10d: {  	[bflag:$0x0] =	sbarrier.arrive $0xFFFF  }
0x10e: {  	s31 =	rddreg [dreg:$0x6]  }
0x10f: {  	[tilespmem:s19], [sflag:$0x4] =	stream.linear.gather [hbm4b:s31+s19], $0x800, $0x38;
	[tilespmem:$0x18800] =	vst v63  }
0x110: {  	_ =	swait.ge [sflag:s30], $0x800  }
0x111: {  	[sflag:s30] =	ssyncset.done $0x0  }
0x112: {  	[sflag:s30] =	ssyncadd.s32 $0xFFFFF800  }
0x113: {  	[tilespmem:s11], [sflag:$0x1] =	stream.indirect.gather [spmem:s2], $0x80, s19, s4, $0xb8;
	[tilespmem:$0x18800] =	vst v63  }
0x114: {  	_ = 	snop  }
0x115: {  	[tilespmem:s14], [sflag:$0x1] =	stream.indirect.gather [spmem:s2], $0x80, s4, s4, $0xb8;
	[tilespmem:$0x18800] =	vst v63  }
0x116: {  	_ =	swait.ge [sflag:s5], $0x4000  }
0x117: {  	[sflag:s5] =	ssyncset.done $0x0  }
0x118: {  	[sflag:s5] =	ssyncadd.s32 $0xFFFFC000  }
0x119: {  	_ =	swait.ge [sflag:s5], $0x4000  }
0x11a: {  	[sflag:s5] =	ssyncset.done $0x0  }
0x11b: {  	s1 =	rddreg [dreg:$0x7];
	[sflag:s5] =	ssyncadd.s32 $0xFFFFC000  }
0x11c: {  	[hbm4b:s1+s4] =	stream.strided.scatter [tilespmem:s11], [sflag:$0x2], $0x8000, s6, s4, $0x38;
	[tilespmem:$0x18800] =	vst v63  }
0x11d: {  	_ = 	snop  }
0x11e: {  	[tilespmem:s7], [sflag:$0x1] =	stream.indirect.gather [spmem:s2], $0x80, s29, s4, $0xb8;
	[tilespmem:$0x18800] =	vst v63  }
0x11f: {  	_ = 	snop  }
0x120: {  	[tilespmem:s12], [sflag:$0x1] =	stream.indirect.gather [spmem:s2], $0x80, s17, s4, $0xb8;
	[tilespmem:$0x18800] =	vst v63  }
0x121: {  	_ =	swait.ge [sflag:s5], $0x4000  }
0x122: {  	[sflag:s5] =	ssyncset.done $0x0  }
0x123: {  	[sflag:s5] =	ssyncadd.s32 $0xFFFFC000  }
0x124: {  	_ =	swait.ge [sflag:s5], $0x4000  }
0x125: {  	[sflag:s5] =	ssyncset.done $0x0  }
0x126: {  	s19 =	rddreg [dreg:$0x8];
	[sflag:s5] =	ssyncadd.s32 $0xFFFFC000  }
0x127: {  	[hbm4b:s19+s4] =	stream.strided.scatter [tilespmem:s7], [sflag:$0x3], $0x8000, s6, s4, $0x38;
	[tilespmem:$0x18800] =	vst v63  }
0x128: {  	_ =	swait.ge [sflag:s8], $0x8000  }
0x129: {  	[sflag:s8] =	ssyncset.done $0x0  }
0x12a: {  	[sflag:s8] =	ssyncadd.s32 $0xFFFF8000  }
0x12b: {  	[tilespmem:s11], [sflag:$0x1] =	stream.indirect.gather [spmem:s2], $0x80, s26, s4, $0xb8;
	[tilespmem:$0x18800] =	vst v63  }
0x12c: {  	_ = 	snop  }
0x12d: {  	[tilespmem:s14], [sflag:$0x1] =	stream.indirect.gather [spmem:s2], $0x80, s28, s4, $0xb8;
	[tilespmem:$0x18800] =	vst v63  }
0x12e: {  	_ =	swait.ge [sflag:s5], $0x4000  }
0x12f: {  	[sflag:s5] =	ssyncset.done $0x0  }
0x130: {  	[sflag:s5] =	ssyncadd.s32 $0xFFFFC000  }
0x131: {  	_ =	swait.ge [sflag:s5], $0x4000  }
0x132: {  	[sflag:s5] =	ssyncset.done $0x0  }
0x133: {  	s26 =	rddreg [dreg:$0x9];
	[sflag:s5] =	ssyncadd.s32 $0xFFFFC000  }
0x134: {  	[hbm4b:s26+s4] =	stream.strided.scatter [tilespmem:s11], [sflag:$0x2], $0x8000, s6, s4, $0x38;
	[tilespmem:$0x18800] =	vst v63  }
0x135: {  	_ =	swait.ge [sflag:s9], $0x8000  }
0x136: {  	[sflag:s9] =	ssyncset.done $0x0  }
0x137: {  	[sflag:s9] =	ssyncadd.s32 $0xFFFF8000  }
0x138: {  	[tilespmem:s7], [sflag:$0x1] =	stream.indirect.gather [spmem:s2], $0x80, s24, s4, $0xb8;
	[tilespmem:$0x18800] =	vst v63  }
0x139: {  	_ = 	snop  }
0x13a: {  	[tilespmem:s12], [sflag:$0x1] =	stream.indirect.gather [spmem:s2], $0x80, s25, s4, $0xb8;
	[tilespmem:$0x18800] =	vst v63  }
0x13b: {  	_ =	swait.ge [sflag:s5], $0x4000  }
0x13c: {  	[sflag:s5] =	ssyncset.done $0x0  }
0x13d: {  	[sflag:s5] =	ssyncadd.s32 $0xFFFFC000  }
0x13e: {  	_ =	swait.ge [sflag:s5], $0x4000  }
0x13f: {  	[sflag:s5] =	ssyncset.done $0x0  }
0x140: {  	s28 =	rddreg [dreg:$0xa];
	[sflag:s5] =	ssyncadd.s32 $0xFFFFC000  }
0x141: {  	[hbm4b:s28+s4] =	stream.strided.scatter [tilespmem:s7], [sflag:$0x3], $0x8000, s6, s4, $0x38;
	[tilespmem:$0x18800] =	vst v63  }
0x142: {  	_ =	swait.ge [sflag:s8], $0x8000  }
0x143: {  	[sflag:s8] =	ssyncset.done $0x0  }
0x144: {  	[sflag:s8] =	ssyncadd.s32 $0xFFFF8000  }
0x145: {  	[tilespmem:s11], [sflag:$0x1] =	stream.indirect.gather [spmem:s2], $0x80, s6, s4, $0xb8;
	[tilespmem:$0x18800] =	vst v63  }
0x146: {  	_ = 	snop  }
0x147: {  	[tilespmem:s14], [sflag:$0x1] =	stream.indirect.gather [spmem:s2], $0x80, s23, s4, $0xb8;
	[tilespmem:$0x18800] =	vst v63  }
0x148: {  	_ =	swait.ge [sflag:s5], $0x4000  }
0x149: {  	[sflag:s5] =	ssyncset.done $0x0  }
0x14a: {  	[sflag:s5] =	ssyncadd.s32 $0xFFFFC000  }
0x14b: {  	_ =	swait.ge [sflag:s5], $0x4000  }
0x14c: {  	[sflag:s5] =	ssyncset.done $0x0  }
0x14d: {  	s29 =	rddreg [dreg:$0xb];
	[sflag:s5] =	ssyncadd.s32 $0xFFFFC000  }
0x14e: {  	[hbm4b:s29+s4] =	stream.strided.scatter [tilespmem:s11], [sflag:$0x2], $0x8000, s6, s4, $0x38;
	[tilespmem:$0x18800] =	vst v63  }
0x14f: {  	_ =	swait.ge [sflag:s9], $0x8000  }
0x150: {  	[sflag:s9] =	ssyncset.done $0x0  }
0x151: {  	[sflag:s9] =	ssyncadd.s32 $0xFFFF8000  }
0x152: {  	[tilespmem:s7], [sflag:$0x1] =	stream.indirect.gather [spmem:s2], $0x80, s21, s4, $0xb8;
	[tilespmem:$0x18800] =	vst v63  }
0x153: {  	_ = 	snop  }
0x154: {  	[tilespmem:s12], [sflag:$0x1] =	stream.indirect.gather [spmem:s2], $0x80, s22, s4, $0xb8;
	[tilespmem:$0x18800] =	vst v63  }
0x155: {  	_ =	swait.ge [sflag:s5], $0x4000  }
0x156: {  	[sflag:s5] =	ssyncset.done $0x0  }
0x157: {  	[sflag:s5] =	ssyncadd.s32 $0xFFFFC000  }
0x158: {  	_ =	swait.ge [sflag:s5], $0x4000  }
0x159: {  	[sflag:s5] =	ssyncset.done $0x0  }
0x15a: {  	[sflag:s5] =	ssyncadd.s32 $0xFFFFC000  }
0x15b: {  	[hbm4b:s13+s4] =	stream.strided.scatter [tilespmem:s7], [sflag:$0x3], $0x8000, s6, s4, $0x38;
	[tilespmem:$0x18800] =	vst v63  }
0x15c: {  	_ =	swait.ge [sflag:s8], $0x8000  }
0x15d: {  	[sflag:s8] =	ssyncset.done $0x0  }
0x15e: {  	[sflag:s8] =	ssyncadd.s32 $0xFFFF8000  }
0x15f: {  	[tilespmem:s11], [sflag:$0x1] =	stream.indirect.gather [spmem:s2], $0x80, s18, s4, $0xb8;
	[tilespmem:$0x18800] =	vst v63  }
0x160: {  	_ = 	snop  }
0x161: {  	[tilespmem:s14], [sflag:$0x1] =	stream.indirect.gather [spmem:s2], $0x80, s20, s4, $0xb8;
	[tilespmem:$0x18800] =	vst v63  }
0x162: {  	_ =	swait.ge [sflag:s5], $0x4000  }
0x163: {  	[sflag:s5] =	ssyncset.done $0x0  }
0x164: {  	[sflag:s5] =	ssyncadd.s32 $0xFFFFC000  }
0x165: {  	_ =	swait.ge [sflag:s5], $0x4000  }
0x166: {  	[sflag:s5] =	ssyncset.done $0x0  }
0x167: {  	[sflag:s5] =	ssyncadd.s32 $0xFFFFC000  }
0x168: {  	[hbm4b:s10+s4] =	stream.strided.scatter [tilespmem:s11], [sflag:$0x2], $0x8000, s6, s4, $0x38;
	[tilespmem:$0x18800] =	vst v63  }
0x169: {  	_ =	swait.ge [sflag:s9], $0x8000  }
0x16a: {  	[sflag:s9] =	ssyncset.done $0x0  }
0x16b: {  	[sflag:s9] =	ssyncadd.s32 $0xFFFF8000  }
0x16c: {  	[tilespmem:s7], [sflag:$0x1] =	stream.indirect.gather [spmem:s2], $0x80, s16, s4, $0xb8;
	[tilespmem:$0x18800] =	vst v63  }
0x16d: {  	s30 =	simm.s32 $0x780  }
0x16e: {  	[tilespmem:s12], [sflag:$0x1] =	stream.indirect.gather [spmem:s2], $0x80, s30, s4, $0xb8;
	[tilespmem:$0x18800] =	vst v63  }
0x16f: {  	_ =	swait.ge [sflag:s5], $0x4000  }
0x170: {  	[sflag:s5] =	ssyncset.done $0x0  }
0x171: {  	[sflag:s5] =	ssyncadd.s32 $0xFFFFC000  }
0x172: {  	_ =	swait.ge [sflag:s5], $0x4000  }
0x173: {  	[sflag:s5] =	ssyncset.done $0x0  }
0x174: {  	[sflag:s5] =	ssyncadd.s32 $0xFFFFC000  }
0x175: {  	[hbm4b:s3+s4] =	stream.strided.scatter [tilespmem:s7], [sflag:$0x3], $0x8000, s6, s4, $0x38;
	[tilespmem:$0x18800] =	vst v63  }
0x176: {  	_ =	swait.ge [sflag:s8], $0x8000  }
0x177: {  	[sflag:s8] =	ssyncset.done $0x0  }
0x178: {  	[sflag:s8] =	ssyncadd.s32 $0xFFFF8000  }
0x179: {  	_ =	swait.ge [sflag:s9], $0x8000  }
0x17a: {  	[sflag:s9] =	ssyncset.done $0x0  }
0x17b: {  	[sflag:s9] =	ssyncadd.s32 $0xFFFF8000  }
0x17c: {  	_ =	sfence.sel $0x180000  }
0x17d: {  	s31 =	stileid.u32;
	[bflag:$0x0] =	sbarrier.arrive $0xFFFF  }
0x17e: {  	p0 =	sne.s32 s31, $0x0;
	_ =	strace $0x90000047  }
0x17f: {  	s0 =	sadd.s32 @!p0 $0x100000, s15;
	[bflag:$0x2] =	sbarrier.arrive $0xFFFF  }
0x180: {  	[sflag:s0] =	ssyncadd.tile.s32 @!p0 $0x1;
	_ =	shalt  }
.LBB2_1:
.Ltmp3:
0x181: {  	(pc) =	sbr.rel .LBB2_6-.Ltmp3, $4  }
0x182: {  	s17 =	simm.s32 $0x180;
	s29 =	simm.s32 $0x100;
	s28 =	simm.s32 $0x280  }
0x183: {  	s26 =	simm.s32 $0x200;
	s25 =	simm.s32 $0x380;
	s24 =	simm.s32 $0x300  }
0x184: {  	s23 =	simm.s32 $0x480;
	s22 =	simm.s32 $0x580;
	s21 =	simm.s32 $0x500  }
0x185: {  	s20 =	simm.s32 $0x680;
	s18 =	simm.s32 $0x600;
	s16 =	simm.s32 $0x700  }
.LBB2_3:
.Ltmp4:
0x186: {  	s17 =	simm.s32 $0x180;
	(pc) =	sbr.rel .LBB2_6-.Ltmp4, $4  }
0x187: {  	s29 =	simm.s32 $0x100;
	s28 =	simm.s32 $0x280;
	s26 =	simm.s32 $0x200  }
0x188: {  	s25 =	simm.s32 $0x380;
	s24 =	simm.s32 $0x300;
	s23 =	simm.s32 $0x480  }
0x189: {  	s22 =	simm.s32 $0x580;
	s21 =	simm.s32 $0x500;
	s20 =	simm.s32 $0x680  }
0x18a: {  	s18 =	simm.s32 $0x600;
	s16 =	simm.s32 $0x700;
	s15 =	rddreg [dreg:$0x3]  }
.Lfunc_end2:
_tile_overlayer_lowered:
.L_overlay_start_2:
0x18b: {  	(tag) =	ssettag $0x2  }
0x18c: {  	s0 =	rddreg [dreg:$0x0];
	s2 =	stileid.u32  }
0x18d: {  	s1 =	rddreg [dreg:$0x1];
	p0 =	sne.s32 s2, $0x0  }
0x18e: {  	s3 =	rddreg [dreg:$0x2];
	[bflag:$0x3] =	sbarrier.arrive $0xFFFF;
	s2 =	simm.s32 @!p0 $0x1C04  }
0x18f: {  	[timem:s3], [sflag:s2] =	dma.local @!p0 [hbm:s0], s1  }
0x190: {  	s0 =	simm.s32 @!p0 $0x4  }
0x191: {  	_ =	swait.ge @!p0 [sflag:s0], s1  }
0x192: {  	s1 =	ssub.s32 @!p0 $0x0, s1;
	[sflag:s0] =	ssyncset.done @!p0 $0x0  }
0x193: {  	[sflag:s0] =	ssyncadd.s32 @!p0 s1  }
0x194: {  	[bflag:$0x3] =	sbarrier.arrive $0xFFFF  }
0x195: {  	_ =	shalt  }

</sc_bundles>
